<compile_context>
chip_gen: v7x
topology: tpu7x:2x2x1
jax: 0.10.2.dev20260603
libtpu: 0.0.44.dev20260713+nightly
codegen_flags: <defaults>
</compile_context>

<pallas_src>
import math

import jax
import jax.numpy as jnp
from jax import lax
from jax.experimental import pallas as pl
from jax.experimental.pallas import tpu as pltpu
from jax.experimental.pallas import tpu_sc as plsc

_DIM = 64
_SCALE = math.sqrt(_DIM)
_NC = 2
_NS = 16
_NW = _NC * _NS
_CH = 512
_LANES = 16
_UNROLL = 8


def _make_kernel(n_rows: int):
    rows_per_w = n_rows // _NW
    n_chunks = rows_per_w // _CH
    mesh = plsc.VectorSubcoreMesh(core_axis_name="c", subcore_axis_name="s")

    def body(x_hbm, table_hbm, out_hbm, idx_v, rows0, rows1, sem0, sem1):
        wid = lax.axis_index("s") * _NC + lax.axis_index("c")
        base = wid * rows_per_w
        pltpu.sync_copy(x_hbm.at[pl.ds(base, rows_per_w)], idx_v)

        bufs = (rows0, rows1)
        sems = (sem0, sem1)

        def gather(c, b):
            return pltpu.make_async_copy(
                table_hbm.at[idx_v.at[pl.ds(c * _CH, _CH)]], bufs[b], sems[b]
            )

        gather(0, 0).start()
        gather(1, 1).start()

        @pl.loop(0, n_chunks, step=2)
        def _ring(g):
            for b in range(2):
                c = g + b
                gather(c, b).wait()

                @pl.loop(0, _CH, step=_UNROLL)
                def _scale(r0):
                    for rr in range(_UNROLL):
                        for j in range(_DIM // _LANES):
                            sl = pl.ds(j * _LANES, _LANES)
                            bufs[b][r0 + rr, sl] = bufs[b][r0 + rr, sl] * _SCALE

                pltpu.sync_copy(bufs[b], out_hbm.at[pl.ds(base + c * _CH, _CH)])

                @pl.when(c < n_chunks - 2)
                def _():
                    gather(c + 2, b).start()

    return pl.kernel(
        body,
        out_type=jax.ShapeDtypeStruct((n_rows, _DIM), jnp.float32),
        mesh=mesh,
        scratch_types=[
            pltpu.VMEM((rows_per_w,), jnp.int32),
            pltpu.VMEM((_CH, _DIM), jnp.float32),
            pltpu.VMEM((_CH, _DIM), jnp.float32),
            pltpu.SemaphoreType.DMA,
            pltpu.SemaphoreType.DMA,
        ],
        compiler_params=pltpu.CompilerParams(use_tc_tiling_on_sc=False),
    )


def kernel(x, table):
    b, s = x.shape
    idx = x.reshape(-1).astype(jnp.int32)
    out = _make_kernel(idx.shape[0])(idx, table)
    return out.reshape(b, s, _DIM)

# --- scband reference (transcript-rebuilt; emitter-appended) ---
"""Pipeline reference for scband-embedder-9070970929807 (READ-ONLY COPY).

The authoritative reference and input builder live on the scoring server;
editing this copy changes nothing except your own understanding.
"""

import jax, jax.numpy as jnp
import numpy as np
import math

VOCAB = 1000000
DIM = 64
BATCH = 4096
SEQ = 200

def setup_inputs(seed: int = 0) -> dict:
    key = jax.random.key(seed)
    k1, k2 = jax.random.split(key)
    x = jax.random.randint(k1, (BATCH, SEQ), 0, VOCAB, dtype=jnp.int64)
    # nn.Embedding default init: N(0, 1)
    table = jax.random.normal(k2, (VOCAB, DIM), dtype=jnp.float32)
    return {"x": x, "table": table}

def reference(x, table):
    # Embedder.forward: embedding lookup scaled by sqrt(embedding_dim)
    emb = jnp.take(table, x, axis=0)
    return emb * math.sqrt(DIM)

if __name__ == "__main__":
    import jax
    _d = setup_inputs()
    print(jax.jit(kernel)(*tuple(_d.values())))

</pallas_src>

<mosaic_0001>
#map = affine_map<(d0, d1) -> (0)>
#map1 = affine_map<(d0, d1) -> (0, 0)>
module attributes {stable_mosaic.version = 14 : i64} {
  func.func @body(%arg0: i32, %arg1: i32, %arg2: memref<819200xi32, #tpu.memory_space<hbm>>, %arg3: memref<1000000x64xf32, #tpu.memory_space<hbm>>, %arg4: memref<819200x64xf32, #tpu.memory_space<hbm>>, %arg5: memref<25600xi32, #tpu.memory_space<vmem>>, %arg6: memref<512x64xf32, #tpu.memory_space<vmem>>, %arg7: memref<512x64xf32, #tpu.memory_space<vmem>>, %arg8: memref<!tpu.dma_semaphore, #tpu.memory_space<semaphore_mem>>, %arg9: memref<!tpu.dma_semaphore, #tpu.memory_space<semaphore_mem>>) attributes {dimension_semantics = [#tpu.dimension_semantics<core_parallel>, #tpu.dimension_semantics<subcore_parallel>], iteration_bounds = array<i64: 2, 16>, scalar_prefetch = 0 : i64, scratch_operands = 5 : i64, tpu.core_type = #tpu.core_type<sc_vector_subcore>, window_params = [{transform_indices = #map}, {transform_indices = #map1}, {transform_indices = #map1}]} {
    %mul3A = arith.constant 2 : i32
    %mul3A_0 = arith.muli %arg1, %mul3A : i32
    %add3A = arith.addi %mul3A_0, %arg0 : i32
    %mul3A_1 = arith.constant 25600 : i32
    %mul3A_2 = arith.muli %add3A, %mul3A_1 : i32
    "tpu.region"() ({
      %run_scoped3A = tpu.sem_alloc : memref<!tpu.dma_semaphore, #tpu.memory_space<semaphore_mem>>
      %dma_start3A_16 = tpu.memref_slice %arg2[%mul3A_2] : memref<819200xi32, #tpu.memory_space<hbm>> -> memref<25600xi32, #tpu.memory_space<hbm>>
      %dma_start3A_17 = tpu.memref_slice %arg2[%mul3A_2] : memref<819200xi32, #tpu.memory_space<hbm>> -> memref<25600xi32, #tpu.memory_space<hbm>>
      tpu.enqueue_dma source(%dma_start3A_17 : memref<25600xi32, #tpu.memory_space<hbm>>) target(%arg5 : memref<25600xi32, #tpu.memory_space<vmem>>) target_semaphore(%run_scoped3A : memref<!tpu.dma_semaphore, #tpu.memory_space<semaphore_mem>>)
      %dma_wait3A = tpu.memref_slice %arg2[%mul3A_2] : memref<819200xi32, #tpu.memory_space<hbm>> -> memref<25600xi32, #tpu.memory_space<hbm>>
      %dma_wait3A_18 = tpu.memref_slice %arg2[%mul3A_2] : memref<819200xi32, #tpu.memory_space<hbm>> -> memref<25600xi32, #tpu.memory_space<hbm>>
      tpu.wait_dma2 semaphore(%run_scoped3A : memref<!tpu.dma_semaphore, #tpu.memory_space<semaphore_mem>>) src(%dma_wait3A_18 : memref<25600xi32, #tpu.memory_space<hbm>>) dst(%arg5 : memref<25600xi32, #tpu.memory_space<vmem>>)
      tpu.yield
    }) : () -> ()
    %dma_start3A = arith.constant 0 : i32
    %dma_start3A_3 = tpu.memref_slice %arg5[%dma_start3A] : memref<25600xi32, #tpu.memory_space<vmem>> -> memref<512xi32, #tpu.memory_space<vmem>>
    %dma_start3A_4 = arith.constant 0 : i32
    %dma_start3A_5 = arith.constant 0 : i32
    %dma_start3A_6 = tpu.memref_slice %arg3[%dma_start3A_4, %dma_start3A_5] : memref<1000000x64xf32, #tpu.memory_space<hbm>> -> memref<1000000x64xf32, #tpu.memory_space<hbm>>
    tpu.enqueue_indirect_dma source(%dma_start3A_6 : memref<1000000x64xf32, #tpu.memory_space<hbm>>) target(%arg6 : memref<512x64xf32, #tpu.memory_space<vmem>>) offsets(%dma_start3A_3 : memref<512xi32, #tpu.memory_space<vmem>>) semaphore(%arg8 : memref<!tpu.dma_semaphore, #tpu.memory_space<semaphore_mem>>)
    %dma_start3A_7 = arith.constant 512 : i32
    %dma_start3A_8 = tpu.memref_slice %arg5[%dma_start3A_7] : memref<25600xi32, #tpu.memory_space<vmem>> -> memref<512xi32, #tpu.memory_space<vmem>>
    %dma_start3A_9 = arith.constant 0 : i32
    %dma_start3A_10 = arith.constant 0 : i32
    %dma_start3A_11 = tpu.memref_slice %arg3[%dma_start3A_9, %dma_start3A_10] : memref<1000000x64xf32, #tpu.memory_space<hbm>> -> memref<1000000x64xf32, #tpu.memory_space<hbm>>
    tpu.enqueue_indirect_dma source(%dma_start3A_11 : memref<1000000x64xf32, #tpu.memory_space<hbm>>) target(%arg7 : memref<512x64xf32, #tpu.memory_space<vmem>>) offsets(%dma_start3A_8 : memref<512xi32, #tpu.memory_space<vmem>>) semaphore(%arg9 : memref<!tpu.dma_semaphore, #tpu.memory_space<semaphore_mem>>)
    %scan3A = arith.constant 0 : i32
    %scan3A_12 = arith.constant 25 : i32
    %scan3A_13 = arith.addi %scan3A, %scan3A_12 : i32
    %scan3A_14 = arith.constant 1 : i32
    scf.for %scan3A_16 = %scan3A to %scan3A_13 step %scan3A_14  : i32 {
      %mul3A_17 = arith.constant 2 : i32
      %mul3A_18 = arith.muli %scan3A_16, %mul3A_17 : i32
      %add3A_19 = arith.constant 0 : i32
      %add3A_20 = arith.addi %add3A_19, %mul3A_18 : i32
      %add3A_21 = arith.constant 0 : i32
      %add3A_22 = arith.addi %add3A_20, %add3A_21 : i32
      %mul3A_23 = arith.constant 512 : i32
      %mul3A_24 = arith.muli %add3A_22, %mul3A_23 : i32
      %dma_wait3A = tpu.memref_slice %arg5[%mul3A_24] : memref<25600xi32, #tpu.memory_space<vmem>> -> memref<512xi32, #tpu.memory_space<vmem>>
      %dma_wait3A_25 = arith.constant 0 : i32
      %dma_wait3A_26 = arith.constant 0 : i32
      %dma_wait3A_27 = tpu.memref_slice %arg3[%dma_wait3A_25, %dma_wait3A_26] : memref<1000000x64xf32, #tpu.memory_space<hbm>> -> memref<1000000x64xf32, #tpu.memory_space<hbm>>
      tpu.wait_indirect_dma semaphore(%arg8 : memref<!tpu.dma_semaphore, #tpu.memory_space<semaphore_mem>>) src(%dma_wait3A_27 : memref<1000000x64xf32, #tpu.memory_space<hbm>>) dst(%arg6 : memref<512x64xf32, #tpu.memory_space<vmem>>)
      %scan3A_28 = arith.constant 0 : i32
      %scan3A_29 = arith.constant 64 : i32
      %scan3A_30 = arith.addi %scan3A_28, %scan3A_29 : i32
      %scan3A_31 = arith.constant 1 : i32
      scf.for %scan3A_59 = %scan3A_28 to %scan3A_30 step %scan3A_31  : i32 {
        %mul3A_60 = arith.constant 8 : i32
        %mul3A_61 = arith.muli %scan3A_59, %mul3A_60 : i32
        %add3A_62 = arith.constant 0 : i32
        %add3A_63 = arith.addi %add3A_62, %mul3A_61 : i32
        %add3A_64 = arith.constant 0 : i32
        %add3A_65 = arith.addi %add3A_63, %add3A_64 : i32
        %get3A = arith.index_cast %add3A_65 : i32 to index
        %get3A_66 = arith.constant 0 : index
        %get3A_67 = tpu.vector_load %arg6[%get3A, %get3A_66] {strides = array<i32>} : memref<512x64xf32, #tpu.memory_space<vmem>>, vector<1x16xf32>,
        %get3A_68 = vector.shape_cast %get3A_67 : vector<1x16xf32> to vector<16xf32>
        %mul3A_69 = arith.constant 8.000000e+00 : f32
        %mul3A_70 = vector.broadcast %mul3A_69 : f32 to vector<16xf32>
        %mul3A_71 = arith.mulf %get3A_68, %mul3A_70 : vector<16xf32>
        %add3A_72 = arith.constant 0 : i32
        %add3A_73 = arith.addi %add3A_63, %add3A_72 : i32
        %swap3A = arith.index_cast %add3A_73 : i32 to index
        %swap3A_74 = arith.constant 0 : index
        %swap3A_75 = tpu.vector_load %arg6[%swap3A, %swap3A_74] {strides = array<i32>} : memref<512x64xf32, #tpu.memory_space<vmem>>, vector<1x16xf32>,
        %swap3A_76 = vector.shape_cast %swap3A_75 : vector<1x16xf32> to vector<16xf32>
        %swap3A_77 = vector.shape_cast %mul3A_71 : vector<16xf32> to vector<1x16xf32>
        tpu.vector_store %arg6[%swap3A, %swap3A_74], %swap3A_77 {strides = array<i32>} : memref<512x64xf32, #tpu.memory_space<vmem>>, vector<1x16xf32>,
        %add3A_78 = arith.constant 0 : i32
        %add3A_79 = arith.addi %add3A_63, %add3A_78 : i32
        %get3A_80 = arith.index_cast %add3A_79 : i32 to index
        %get3A_81 = arith.constant 16 : index
        %get3A_82 = tpu.vector_load %arg6[%get3A_80, %get3A_81] {strides = array<i32>} : memref<512x64xf32, #tpu.memory_space<vmem>>, vector<1x16xf32>,
        %get3A_83 = vector.shape_cast %get3A_82 : vector<1x16xf32> to vector<16xf32>
        %mul3A_84 = arith.constant 8.000000e+00 : f32
        %mul3A_85 = vector.broadcast %mul3A_84 : f32 to vector<16xf32>
        %mul3A_86 = arith.mulf %get3A_83, %mul3A_85 : vector<16xf32>
        %add3A_87 = arith.constant 0 : i32
        %add3A_88 = arith.addi %add3A_63, %add3A_87 : i32
        %swap3A_89 = arith.index_cast %add3A_88 : i32 to index
        %swap3A_90 = arith.constant 16 : index
        %swap3A_91 = tpu.vector_load %arg6[%swap3A_89, %swap3A_90] {strides = array<i32>} : memref<512x64xf32, #tpu.memory_space<vmem>>, vector<1x16xf32>,
        %swap3A_92 = vector.shape_cast %swap3A_91 : vector<1x16xf32> to vector<16xf32>
        %swap3A_93 = vector.shape_cast %mul3A_86 : vector<16xf32> to vector<1x16xf32>
        tpu.vector_store %arg6[%swap3A_89, %swap3A_90], %swap3A_93 {strides = array<i32>} : memref<512x64xf32, #tpu.memory_space<vmem>>, vector<1x16xf32>,
        %add3A_94 = arith.constant 0 : i32
        %add3A_95 = arith.addi %add3A_63, %add3A_94 : i32
        %get3A_96 = arith.index_cast %add3A_95 : i32 to index
        %get3A_97 = arith.constant 32 : index
        %get3A_98 = tpu.vector_load %arg6[%get3A_96, %get3A_97] {strides = array<i32>} : memref<512x64xf32, #tpu.memory_space<vmem>>, vector<1x16xf32>,
        %get3A_99 = vector.shape_cast %get3A_98 : vector<1x16xf32> to vector<16xf32>
        %mul3A_100 = arith.constant 8.000000e+00 : f32
        %mul3A_101 = vector.broadcast %mul3A_100 : f32 to vector<16xf32>
        %mul3A_102 = arith.mulf %get3A_99, %mul3A_101 : vector<16xf32>
        %add3A_103 = arith.constant 0 : i32
        %add3A_104 = arith.addi %add3A_63, %add3A_103 : i32
        %swap3A_105 = arith.index_cast %add3A_104 : i32 to index
        %swap3A_106 = arith.constant 32 : index
        %swap3A_107 = tpu.vector_load %arg6[%swap3A_105, %swap3A_106] {strides = array<i32>} : memref<512x64xf32, #tpu.memory_space<vmem>>, vector<1x16xf32>,
        %swap3A_108 = vector.shape_cast %swap3A_107 : vector<1x16xf32> to vector<16xf32>
        %swap3A_109 = vector.shape_cast %mul3A_102 : vector<16xf32> to vector<1x16xf32>
        tpu.vector_store %arg6[%swap3A_105, %swap3A_106], %swap3A_109 {strides = array<i32>} : memref<512x64xf32, #tpu.memory_space<vmem>>, vector<1x16xf32>,
        %add3A_110 = arith.constant 0 : i32
        %add3A_111 = arith.addi %add3A_63, %add3A_110 : i32
        %get3A_112 = arith.index_cast %add3A_111 : i32 to index
        %get3A_113 = arith.constant 48 : index
        %get3A_114 = tpu.vector_load %arg6[%get3A_112, %get3A_113] {strides = array<i32>} : memref<512x64xf32, #tpu.memory_space<vmem>>, vector<1x16xf32>,
        %get3A_115 = vector.shape_cast %get3A_114 : vector<1x16xf32> to vector<16xf32>
        %mul3A_116 = arith.constant 8.000000e+00 : f32
        %mul3A_117 = vector.broadcast %mul3A_116 : f32 to vector<16xf32>
        %mul3A_118 = arith.mulf %get3A_115, %mul3A_117 : vector<16xf32>
        %add3A_119 = arith.constant 0 : i32
        %add3A_120 = arith.addi %add3A_63, %add3A_119 : i32
        %swap3A_121 = arith.index_cast %add3A_120 : i32 to index
        %swap3A_122 = arith.constant 48 : index
        %swap3A_123 = tpu.vector_load %arg6[%swap3A_121, %swap3A_122] {strides = array<i32>} : memref<512x64xf32, #tpu.memory_space<vmem>>, vector<1x16xf32>,
        %swap3A_124 = vector.shape_cast %swap3A_123 : vector<1x16xf32> to vector<16xf32>
        %swap3A_125 = vector.shape_cast %mul3A_118 : vector<16xf32> to vector<1x16xf32>
        tpu.vector_store %arg6[%swap3A_121, %swap3A_122], %swap3A_125 {strides = array<i32>} : memref<512x64xf32, #tpu.memory_space<vmem>>, vector<1x16xf32>,
        %add3A_126 = arith.constant 1 : i32
        %add3A_127 = arith.addi %add3A_63, %add3A_126 : i32
        %get3A_128 = arith.index_cast %add3A_127 : i32 to index
        %get3A_129 = arith.constant 0 : index
        %get3A_130 = tpu.vector_load %arg6[%get3A_128, %get3A_129] {strides = array<i32>} : memref<512x64xf32, #tpu.memory_space<vmem>>, vector<1x16xf32>,
        %get3A_131 = vector.shape_cast %get3A_130 : vector<1x16xf32> to vector<16xf32>
        %mul3A_132 = arith.constant 8.000000e+00 : f32
        %mul3A_133 = vector.broadcast %mul3A_132 : f32 to vector<16xf32>
        %mul3A_134 = arith.mulf %get3A_131, %mul3A_133 : vector<16xf32>
        %add3A_135 = arith.constant 1 : i32
        %add3A_136 = arith.addi %add3A_63, %add3A_135 : i32
        %swap3A_137 = arith.index_cast %add3A_136 : i32 to index
        %swap3A_138 = arith.constant 0 : index
        %swap3A_139 = tpu.vector_load %arg6[%swap3A_137, %swap3A_138] {strides = array<i32>} : memref<512x64xf32, #tpu.memory_space<vmem>>, vector<1x16xf32>,
        %swap3A_140 = vector.shape_cast %swap3A_139 : vector<1x16xf32> to vector<16xf32>
        %swap3A_141 = vector.shape_cast %mul3A_134 : vector<16xf32> to vector<1x16xf32>
        tpu.vector_store %arg6[%swap3A_137, %swap3A_138], %swap3A_141 {strides = array<i32>} : memref<512x64xf32, #tpu.memory_space<vmem>>, vector<1x16xf32>,
        %add3A_142 = arith.constant 1 : i32
        %add3A_143 = arith.addi %add3A_63, %add3A_142 : i32
        %get3A_144 = arith.index_cast %add3A_143 : i32 to index
        %get3A_145 = arith.constant 16 : index
        %get3A_146 = tpu.vector_load %arg6[%get3A_144, %get3A_145] {strides = array<i32>} : memref<512x64xf32, #tpu.memory_space<vmem>>, vector<1x16xf32>,
        %get3A_147 = vector.shape_cast %get3A_146 : vector<1x16xf32> to vector<16xf32>
        %mul3A_148 = arith.constant 8.000000e+00 : f32
        %mul3A_149 = vector.broadcast %mul3A_148 : f32 to vector<16xf32>
        %mul3A_150 = arith.mulf %get3A_147, %mul3A_149 : vector<16xf32>
        %add3A_151 = arith.constant 1 : i32
        %add3A_152 = arith.addi %add3A_63, %add3A_151 : i32
        %swap3A_153 = arith.index_cast %add3A_152 : i32 to index
        %swap3A_154 = arith.constant 16 : index
        %swap3A_155 = tpu.vector_load %arg6[%swap3A_153, %swap3A_154] {strides = array<i32>} : memref<512x64xf32, #tpu.memory_space<vmem>>, vector<1x16xf32>,
        %swap3A_156 = vector.shape_cast %swap3A_155 : vector<1x16xf32> to vector<16xf32>
        %swap3A_157 = vector.shape_cast %mul3A_150 : vector<16xf32> to vector<1x16xf32>
        tpu.vector_store %arg6[%swap3A_153, %swap3A_154], %swap3A_157 {strides = array<i32>} : memref<512x64xf32, #tpu.memory_space<vmem>>, vector<1x16xf32>,
        %add3A_158 = arith.constant 1 : i32
        %add3A_159 = arith.addi %add3A_63, %add3A_158 : i32
        %get3A_160 = arith.index_cast %add3A_159 : i32 to index
        %get3A_161 = arith.constant 32 : index
        %get3A_162 = tpu.vector_load %arg6[%get3A_160, %get3A_161] {strides = array<i32>} : memref<512x64xf32, #tpu.memory_space<vmem>>, vector<1x16xf32>,
        %get3A_163 = vector.shape_cast %get3A_162 : vector<1x16xf32> to vector<16xf32>
        %mul3A_164 = arith.constant 8.000000e+00 : f32
        %mul3A_165 = vector.broadcast %mul3A_164 : f32 to vector<16xf32>
        %mul3A_166 = arith.mulf %get3A_163, %mul3A_165 : vector<16xf32>
        %add3A_167 = arith.constant 1 : i32
        %add3A_168 = arith.addi %add3A_63, %add3A_167 : i32
        %swap3A_169 = arith.index_cast %add3A_168 : i32 to index
        %swap3A_170 = arith.constant 32 : index
        %swap3A_171 = tpu.vector_load %arg6[%swap3A_169, %swap3A_170] {strides = array<i32>} : memref<512x64xf32, #tpu.memory_space<vmem>>, vector<1x16xf32>,
        %swap3A_172 = vector.shape_cast %swap3A_171 : vector<1x16xf32> to vector<16xf32>
        %swap3A_173 = vector.shape_cast %mul3A_166 : vector<16xf32> to vector<1x16xf32>
        tpu.vector_store %arg6[%swap3A_169, %swap3A_170], %swap3A_173 {strides = array<i32>} : memref<512x64xf32, #tpu.memory_space<vmem>>, vector<1x16xf32>,
        %add3A_174 = arith.constant 1 : i32
        %add3A_175 = arith.addi %add3A_63, %add3A_174 : i32
        %get3A_176 = arith.index_cast %add3A_175 : i32 to index
        %get3A_177 = arith.constant 48 : index
        %get3A_178 = tpu.vector_load %arg6[%get3A_176, %get3A_177] {strides = array<i32>} : memref<512x64xf32, #tpu.memory_space<vmem>>, vector<1x16xf32>,
        %get3A_179 = vector.shape_cast %get3A_178 : vector<1x16xf32> to vector<16xf32>
        %mul3A_180 = arith.constant 8.000000e+00 : f32
        %mul3A_181 = vector.broadcast %mul3A_180 : f32 to vector<16xf32>
        %mul3A_182 = arith.mulf %get3A_179, %mul3A_181 : vector<16xf32>
        %add3A_183 = arith.constant 1 : i32
        %add3A_184 = arith.addi %add3A_63, %add3A_183 : i32
        %swap3A_185 = arith.index_cast %add3A_184 : i32 to index
        %swap3A_186 = arith.constant 48 : index
        %swap3A_187 = tpu.vector_load %arg6[%swap3A_185, %swap3A_186] {strides = array<i32>} : memref<512x64xf32, #tpu.memory_space<vmem>>, vector<1x16xf32>,
        %swap3A_188 = vector.shape_cast %swap3A_187 : vector<1x16xf32> to vector<16xf32>
        %swap3A_189 = vector.shape_cast %mul3A_182 : vector<16xf32> to vector<1x16xf32>
        tpu.vector_store %arg6[%swap3A_185, %swap3A_186], %swap3A_189 {strides = array<i32>} : memref<512x64xf32, #tpu.memory_space<vmem>>, vector<1x16xf32>,
        %add3A_190 = arith.constant 2 : i32
        %add3A_191 = arith.addi %add3A_63, %add3A_190 : i32
        %get3A_192 = arith.index_cast %add3A_191 : i32 to index
        %get3A_193 = arith.constant 0 : index
        %get3A_194 = tpu.vector_load %arg6[%get3A_192, %get3A_193] {strides = array<i32>} : memref<512x64xf32, #tpu.memory_space<vmem>>, vector<1x16xf32>,
        %get3A_195 = vector.shape_cast %get3A_194 : vector<1x16xf32> to vector<16xf32>
        %mul3A_196 = arith.constant 8.000000e+00 : f32
        %mul3A_197 = vector.broadcast %mul3A_196 : f32 to vector<16xf32>
        %mul3A_198 = arith.mulf %get3A_195, %mul3A_197 : vector<16xf32>
        %add3A_199 = arith.constant 2 : i32
        %add3A_200 = arith.addi %add3A_63, %add3A_199 : i32
        %swap3A_201 = arith.index_cast %add3A_200 : i32 to index
        %swap3A_202 = arith.constant 0 : index
        %swap3A_203 = tpu.vector_load %arg6[%swap3A_201, %swap3A_202] {strides = array<i32>} : memref<512x64xf32, #tpu.memory_space<vmem>>, vector<1x16xf32>,
        %swap3A_204 = vector.shape_cast %swap3A_203 : vector<1x16xf32> to vector<16xf32>
        %swap3A_205 = vector.shape_cast %mul3A_198 : vector<16xf32> to vector<1x16xf32>
        tpu.vector_store %arg6[%swap3A_201, %swap3A_202], %swap3A_205 {strides = array<i32>} : memref<512x64xf32, #tpu.memory_space<vmem>>, vector<1x16xf32>,
        %add3A_206 = arith.constant 2 : i32
        %add3A_207 = arith.addi %add3A_63, %add3A_206 : i32
        %get3A_208 = arith.index_cast %add3A_207 : i32 to index
        %get3A_209 = arith.constant 16 : index
        %get3A_210 = tpu.vector_load %arg6[%get3A_208, %get3A_209] {strides = array<i32>} : memref<512x64xf32, #tpu.memory_space<vmem>>, vector<1x16xf32>,
        %get3A_211 = vector.shape_cast %get3A_210 : vector<1x16xf32> to vector<16xf32>
        %mul3A_212 = arith.constant 8.000000e+00 : f32
        %mul3A_213 = vector.broadcast %mul3A_212 : f32 to vector<16xf32>
        %mul3A_214 = arith.mulf %get3A_211, %mul3A_213 : vector<16xf32>
        %add3A_215 = arith.constant 2 : i32
        %add3A_216 = arith.addi %add3A_63, %add3A_215 : i32
        %swap3A_217 = arith.index_cast %add3A_216 : i32 to index
        %swap3A_218 = arith.constant 16 : index
        %swap3A_219 = tpu.vector_load %arg6[%swap3A_217, %swap3A_218] {strides = array<i32>} : memref<512x64xf32, #tpu.memory_space<vmem>>, vector<1x16xf32>,
        %swap3A_220 = vector.shape_cast %swap3A_219 : vector<1x16xf32> to vector<16xf32>
        %swap3A_221 = vector.shape_cast %mul3A_214 : vector<16xf32> to vector<1x16xf32>
        tpu.vector_store %arg6[%swap3A_217, %swap3A_218], %swap3A_221 {strides = array<i32>} : memref<512x64xf32, #tpu.memory_space<vmem>>, vector<1x16xf32>,
        %add3A_222 = arith.constant 2 : i32
        %add3A_223 = arith.addi %add3A_63, %add3A_222 : i32
        %get3A_224 = arith.index_cast %add3A_223 : i32 to index
        %get3A_225 = arith.constant 32 : index
        %get3A_226 = tpu.vector_load %arg6[%get3A_224, %get3A_225] {strides = array<i32>} : memref<512x64xf32, #tpu.memory_space<vmem>>, vector<1x16xf32>,
        %get3A_227 = vector.shape_cast %get3A_226 : vector<1x16xf32> to vector<16xf32>
        %mul3A_228 = arith.constant 8.000000e+00 : f32
        %mul3A_229 = vector.broadcast %mul3A_228 : f32 to vector<16xf32>
        %mul3A_230 = arith.mulf %get3A_227, %mul3A_229 : vector<16xf32>
        %add3A_231 = arith.constant 2 : i32
        %add3A_232 = arith.addi %add3A_63, %add3A_231 : i32
        %swap3A_233 = arith.index_cast %add3A_232 : i32 to index
        %swap3A_234 = arith.constant 32 : index
        %swap3A_235 = tpu.vector_load %arg6[%swap3A_233, %swap3A_234] {strides = array<i32>} : memref<512x64xf32, #tpu.memory_space<vmem>>, vector<1x16xf32>,
        %swap3A_236 = vector.shape_cast %swap3A_235 : vector<1x16xf32> to vector<16xf32>
        %swap3A_237 = vector.shape_cast %mul3A_230 : vector<16xf32> to vector<1x16xf32>
        tpu.vector_store %arg6[%swap3A_233, %swap3A_234], %swap3A_237 {strides = array<i32>} : memref<512x64xf32, #tpu.memory_space<vmem>>, vector<1x16xf32>,
        %add3A_238 = arith.constant 2 : i32
        %add3A_239 = arith.addi %add3A_63, %add3A_238 : i32
        %get3A_240 = arith.index_cast %add3A_239 : i32 to index
        %get3A_241 = arith.constant 48 : index
        %get3A_242 = tpu.vector_load %arg6[%get3A_240, %get3A_241] {strides = array<i32>} : memref<512x64xf32, #tpu.memory_space<vmem>>, vector<1x16xf32>,
        %get3A_243 = vector.shape_cast %get3A_242 : vector<1x16xf32> to vector<16xf32>
        %mul3A_244 = arith.constant 8.000000e+00 : f32
        %mul3A_245 = vector.broadcast %mul3A_244 : f32 to vector<16xf32>
        %mul3A_246 = arith.mulf %get3A_243, %mul3A_245 : vector<16xf32>
        %add3A_247 = arith.constant 2 : i32
        %add3A_248 = arith.addi %add3A_63, %add3A_247 : i32
        %swap3A_249 = arith.index_cast %add3A_248 : i32 to index
        %swap3A_250 = arith.constant 48 : index
        %swap3A_251 = tpu.vector_load %arg6[%swap3A_249, %swap3A_250] {strides = array<i32>} : memref<512x64xf32, #tpu.memory_space<vmem>>, vector<1x16xf32>,
        %swap3A_252 = vector.shape_cast %swap3A_251 : vector<1x16xf32> to vector<16xf32>
        %swap3A_253 = vector.shape_cast %mul3A_246 : vector<16xf32> to vector<1x16xf32>
        tpu.vector_store %arg6[%swap3A_249, %swap3A_250], %swap3A_253 {strides = array<i32>} : memref<512x64xf32, #tpu.memory_space<vmem>>, vector<1x16xf32>,
        %add3A_254 = arith.constant 3 : i32
        %add3A_255 = arith.addi %add3A_63, %add3A_254 : i32
        %get3A_256 = arith.index_cast %add3A_255 : i32 to index
        %get3A_257 = arith.constant 0 : index
        %get3A_258 = tpu.vector_load %arg6[%get3A_256, %get3A_257] {strides = array<i32>} : memref<512x64xf32, #tpu.memory_space<vmem>>, vector<1x16xf32>,
        %get3A_259 = vector.shape_cast %get3A_258 : vector<1x16xf32> to vector<16xf32>
        %mul3A_260 = arith.constant 8.000000e+00 : f32
        %mul3A_261 = vector.broadcast %mul3A_260 : f32 to vector<16xf32>
        %mul3A_262 = arith.mulf %get3A_259, %mul3A_261 : vector<16xf32>
        %add3A_263 = arith.constant 3 : i32
        %add3A_264 = arith.addi %add3A_63, %add3A_263 : i32
        %swap3A_265 = arith.index_cast %add3A_264 : i32 to index
        %swap3A_266 = arith.constant 0 : index
        %swap3A_267 = tpu.vector_load %arg6[%swap3A_265, %swap3A_266] {strides = array<i32>} : memref<512x64xf32, #tpu.memory_space<vmem>>, vector<1x16xf32>,
        %swap3A_268 = vector.shape_cast %swap3A_267 : vector<1x16xf32> to vector<16xf32>
        %swap3A_269 = vector.shape_cast %mul3A_262 : vector<16xf32> to vector<1x16xf32>
        tpu.vector_store %arg6[%swap3A_265, %swap3A_266], %swap3A_269 {strides = array<i32>} : memref<512x64xf32, #tpu.memory_space<vmem>>, vector<1x16xf32>,
        %add3A_270 = arith.constant 3 : i32
        %add3A_271 = arith.addi %add3A_63, %add3A_270 : i32
        %get3A_272 = arith.index_cast %add3A_271 : i32 to index
        %get3A_273 = arith.constant 16 : index
        %get3A_274 = tpu.vector_load %arg6[%get3A_272, %get3A_273] {strides = array<i32>} : memref<512x64xf32, #tpu.memory_space<vmem>>, vector<1x16xf32>,
        %get3A_275 = vector.shape_cast %get3A_274 : vector<1x16xf32> to vector<16xf32>
        %mul3A_276 = arith.constant 8.000000e+00 : f32
        %mul3A_277 = vector.broadcast %mul3A_276 : f32 to vector<16xf32>
        %mul3A_278 = arith.mulf %get3A_275, %mul3A_277 : vector<16xf32>
        %add3A_279 = arith.constant 3 : i32
        %add3A_280 = arith.addi %add3A_63, %add3A_279 : i32
        %swap3A_281 = arith.index_cast %add3A_280 : i32 to index
        %swap3A_282 = arith.constant 16 : index
        %swap3A_283 = tpu.vector_load %arg6[%swap3A_281, %swap3A_282] {strides = array<i32>} : memref<512x64xf32, #tpu.memory_space<vmem>>, vector<1x16xf32>,
        %swap3A_284 = vector.shape_cast %swap3A_283 : vector<1x16xf32> to vector<16xf32>
        %swap3A_285 = vector.shape_cast %mul3A_278 : vector<16xf32> to vector<1x16xf32>
        tpu.vector_store %arg6[%swap3A_281, %swap3A_282], %swap3A_285 {strides = array<i32>} : memref<512x64xf32, #tpu.memory_space<vmem>>, vector<1x16xf32>,
        %add3A_286 = arith.constant 3 : i32
        %add3A_287 = arith.addi %add3A_63, %add3A_286 : i32
        %get3A_288 = arith.index_cast %add3A_287 : i32 to index
        %get3A_289 = arith.constant 32 : index
        %get3A_290 = tpu.vector_load %arg6[%get3A_288, %get3A_289] {strides = array<i32>} : memref<512x64xf32, #tpu.memory_space<vmem>>, vector<1x16xf32>,
        %get3A_291 = vector.shape_cast %get3A_290 : vector<1x16xf32> to vector<16xf32>
        %mul3A_292 = arith.constant 8.000000e+00 : f32
        %mul3A_293 = vector.broadcast %mul3A_292 : f32 to vector<16xf32>
        %mul3A_294 = arith.mulf %get3A_291, %mul3A_293 : vector<16xf32>
        %add3A_295 = arith.constant 3 : i32
        %add3A_296 = arith.addi %add3A_63, %add3A_295 : i32
        %swap3A_297 = arith.index_cast %add3A_296 : i32 to index
        %swap3A_298 = arith.constant 32 : index
        %swap3A_299 = tpu.vector_load %arg6[%swap3A_297, %swap3A_298] {strides = array<i32>} : memref<512x64xf32, #tpu.memory_space<vmem>>, vector<1x16xf32>,
        %swap3A_300 = vector.shape_cast %swap3A_299 : vector<1x16xf32> to vector<16xf32>
        %swap3A_301 = vector.shape_cast %mul3A_294 : vector<16xf32> to vector<1x16xf32>
        tpu.vector_store %arg6[%swap3A_297, %swap3A_298], %swap3A_301 {strides = array<i32>} : memref<512x64xf32, #tpu.memory_space<vmem>>, vector<1x16xf32>,
        %add3A_302 = arith.constant 3 : i32
        %add3A_303 = arith.addi %add3A_63, %add3A_302 : i32
        %get3A_304 = arith.index_cast %add3A_303 : i32 to index
        %get3A_305 = arith.constant 48 : index
        %get3A_306 = tpu.vector_load %arg6[%get3A_304, %get3A_305] {strides = array<i32>} : memref<512x64xf32, #tpu.memory_space<vmem>>, vector<1x16xf32>,
        %get3A_307 = vector.shape_cast %get3A_306 : vector<1x16xf32> to vector<16xf32>
        %mul3A_308 = arith.constant 8.000000e+00 : f32
        %mul3A_309 = vector.broadcast %mul3A_308 : f32 to vector<16xf32>
        %mul3A_310 = arith.mulf %get3A_307, %mul3A_309 : vector<16xf32>
        %add3A_311 = arith.constant 3 : i32
        %add3A_312 = arith.addi %add3A_63, %add3A_311 : i32
        %swap3A_313 = arith.index_cast %add3A_312 : i32 to index
        %swap3A_314 = arith.constant 48 : index
        %swap3A_315 = tpu.vector_load %arg6[%swap3A_313, %swap3A_314] {strides = array<i32>} : memref<512x64xf32, #tpu.memory_space<vmem>>, vector<1x16xf32>,
        %swap3A_316 = vector.shape_cast %swap3A_315 : vector<1x16xf32> to vector<16xf32>
        %swap3A_317 = vector.shape_cast %mul3A_310 : vector<16xf32> to vector<1x16xf32>
        tpu.vector_store %arg6[%swap3A_313, %swap3A_314], %swap3A_317 {strides = array<i32>} : memref<512x64xf32, #tpu.memory_space<vmem>>, vector<1x16xf32>,
        %add3A_318 = arith.constant 4 : i32
        %add3A_319 = arith.addi %add3A_63, %add3A_318 : i32
        %get3A_320 = arith.index_cast %add3A_319 : i32 to index
        %get3A_321 = arith.constant 0 : index
        %get3A_322 = tpu.vector_load %arg6[%get3A_320, %get3A_321] {strides = array<i32>} : memref<512x64xf32, #tpu.memory_space<vmem>>, vector<1x16xf32>,
        %get3A_323 = vector.shape_cast %get3A_322 : vector<1x16xf32> to vector<16xf32>
        %mul3A_324 = arith.constant 8.000000e+00 : f32
        %mul3A_325 = vector.broadcast %mul3A_324 : f32 to vector<16xf32>
        %mul3A_326 = arith.mulf %get3A_323, %mul3A_325 : vector<16xf32>
        %add3A_327 = arith.constant 4 : i32
        %add3A_328 = arith.addi %add3A_63, %add3A_327 : i32
        %swap3A_329 = arith.index_cast %add3A_328 : i32 to index
        %swap3A_330 = arith.constant 0 : index
        %swap3A_331 = tpu.vector_load %arg6[%swap3A_329, %swap3A_330] {strides = array<i32>} : memref<512x64xf32, #tpu.memory_space<vmem>>, vector<1x16xf32>,
        %swap3A_332 = vector.shape_cast %swap3A_331 : vector<1x16xf32> to vector<16xf32>
        %swap3A_333 = vector.shape_cast %mul3A_326 : vector<16xf32> to vector<1x16xf32>
        tpu.vector_store %arg6[%swap3A_329, %swap3A_330], %swap3A_333 {strides = array<i32>} : memref<512x64xf32, #tpu.memory_space<vmem>>, vector<1x16xf32>,
        %add3A_334 = arith.constant 4 : i32
        %add3A_335 = arith.addi %add3A_63, %add3A_334 : i32
        %get3A_336 = arith.index_cast %add3A_335 : i32 to index
        %get3A_337 = arith.constant 16 : index
        %get3A_338 = tpu.vector_load %arg6[%get3A_336, %get3A_337] {strides = array<i32>} : memref<512x64xf32, #tpu.memory_space<vmem>>, vector<1x16xf32>,
        %get3A_339 = vector.shape_cast %get3A_338 : vector<1x16xf32> to vector<16xf32>
        %mul3A_340 = arith.constant 8.000000e+00 : f32
        %mul3A_341 = vector.broadcast %mul3A_340 : f32 to vector<16xf32>
        %mul3A_342 = arith.mulf %get3A_339, %mul3A_341 : vector<16xf32>
        %add3A_343 = arith.constant 4 : i32
        %add3A_344 = arith.addi %add3A_63, %add3A_343 : i32
        %swap3A_345 = arith.index_cast %add3A_344 : i32 to index
        %swap3A_346 = arith.constant 16 : index
        %swap3A_347 = tpu.vector_load %arg6[%swap3A_345, %swap3A_346] {strides = array<i32>} : memref<512x64xf32, #tpu.memory_space<vmem>>, vector<1x16xf32>,
        %swap3A_348 = vector.shape_cast %swap3A_347 : vector<1x16xf32> to vector<16xf32>
        %swap3A_349 = vector.shape_cast %mul3A_342 : vector<16xf32> to vector<1x16xf32>
        tpu.vector_store %arg6[%swap3A_345, %swap3A_346], %swap3A_349 {strides = array<i32>} : memref<512x64xf32, #tpu.memory_space<vmem>>, vector<1x16xf32>,
        %add3A_350 = arith.constant 4 : i32
        %add3A_351 = arith.addi %add3A_63, %add3A_350 : i32
        %get3A_352 = arith.index_cast %add3A_351 : i32 to index
        %get3A_353 = arith.constant 32 : index
        %get3A_354 = tpu.vector_load %arg6[%get3A_352, %get3A_353] {strides = array<i32>} : memref<512x64xf32, #tpu.memory_space<vmem>>, vector<1x16xf32>,
        %get3A_355 = vector.shape_cast %get3A_354 : vector<1x16xf32> to vector<16xf32>
        %mul3A_356 = arith.constant 8.000000e+00 : f32
        %mul3A_357 = vector.broadcast %mul3A_356 : f32 to vector<16xf32>
        %mul3A_358 = arith.mulf %get3A_355, %mul3A_357 : vector<16xf32>
        %add3A_359 = arith.constant 4 : i32
        %add3A_360 = arith.addi %add3A_63, %add3A_359 : i32
        %swap3A_361 = arith.index_cast %add3A_360 : i32 to index
        %swap3A_362 = arith.constant 32 : index
        %swap3A_363 = tpu.vector_load %arg6[%swap3A_361, %swap3A_362] {strides = array<i32>} : memref<512x64xf32, #tpu.memory_space<vmem>>, vector<1x16xf32>,
        %swap3A_364 = vector.shape_cast %swap3A_363 : vector<1x16xf32> to vector<16xf32>
        %swap3A_365 = vector.shape_cast %mul3A_358 : vector<16xf32> to vector<1x16xf32>
        tpu.vector_store %arg6[%swap3A_361, %swap3A_362], %swap3A_365 {strides = array<i32>} : memref<512x64xf32, #tpu.memory_space<vmem>>, vector<1x16xf32>,
        %add3A_366 = arith.constant 4 : i32
        %add3A_367 = arith.addi %add3A_63, %add3A_366 : i32
        %get3A_368 = arith.index_cast %add3A_367 : i32 to index
        %get3A_369 = arith.constant 48 : index
        %get3A_370 = tpu.vector_load %arg6[%get3A_368, %get3A_369] {strides = array<i32>} : memref<512x64xf32, #tpu.memory_space<vmem>>, vector<1x16xf32>,
        %get3A_371 = vector.shape_cast %get3A_370 : vector<1x16xf32> to vector<16xf32>
        %mul3A_372 = arith.constant 8.000000e+00 : f32
        %mul3A_373 = vector.broadcast %mul3A_372 : f32 to vector<16xf32>
        %mul3A_374 = arith.mulf %get3A_371, %mul3A_373 : vector<16xf32>
        %add3A_375 = arith.constant 4 : i32
        %add3A_376 = arith.addi %add3A_63, %add3A_375 : i32
        %swap3A_377 = arith.index_cast %add3A_376 : i32 to index
        %swap3A_378 = arith.constant 48 : index
        %swap3A_379 = tpu.vector_load %arg6[%swap3A_377, %swap3A_378] {strides = array<i32>} : memref<512x64xf32, #tpu.memory_space<vmem>>, vector<1x16xf32>,
        %swap3A_380 = vector.shape_cast %swap3A_379 : vector<1x16xf32> to vector<16xf32>
        %swap3A_381 = vector.shape_cast %mul3A_374 : vector<16xf32> to vector<1x16xf32>
        tpu.vector_store %arg6[%swap3A_377, %swap3A_378], %swap3A_381 {strides = array<i32>} : memref<512x64xf32, #tpu.memory_space<vmem>>, vector<1x16xf32>,
        %add3A_382 = arith.constant 5 : i32
        %add3A_383 = arith.addi %add3A_63, %add3A_382 : i32
        %get3A_384 = arith.index_cast %add3A_383 : i32 to index
        %get3A_385 = arith.constant 0 : index
        %get3A_386 = tpu.vector_load %arg6[%get3A_384, %get3A_385] {strides = array<i32>} : memref<512x64xf32, #tpu.memory_space<vmem>>, vector<1x16xf32>,
        %get3A_387 = vector.shape_cast %get3A_386 : vector<1x16xf32> to vector<16xf32>
        %mul3A_388 = arith.constant 8.000000e+00 : f32
        %mul3A_389 = vector.broadcast %mul3A_388 : f32 to vector<16xf32>
        %mul3A_390 = arith.mulf %get3A_387, %mul3A_389 : vector<16xf32>
        %add3A_391 = arith.constant 5 : i32
        %add3A_392 = arith.addi %add3A_63, %add3A_391 : i32
        %swap3A_393 = arith.index_cast %add3A_392 : i32 to index
        %swap3A_394 = arith.constant 0 : index
        %swap3A_395 = tpu.vector_load %arg6[%swap3A_393, %swap3A_394] {strides = array<i32>} : memref<512x64xf32, #tpu.memory_space<vmem>>, vector<1x16xf32>,
        %swap3A_396 = vector.shape_cast %swap3A_395 : vector<1x16xf32> to vector<16xf32>
        %swap3A_397 = vector.shape_cast %mul3A_390 : vector<16xf32> to vector<1x16xf32>
        tpu.vector_store %arg6[%swap3A_393, %swap3A_394], %swap3A_397 {strides = array<i32>} : memref<512x64xf32, #tpu.memory_space<vmem>>, vector<1x16xf32>,
        %add3A_398 = arith.constant 5 : i32
        %add3A_399 = arith.addi %add3A_63, %add3A_398 : i32
        %get3A_400 = arith.index_cast %add3A_399 : i32 to index
        %get3A_401 = arith.constant 16 : index
        %get3A_402 = tpu.vector_load %arg6[%get3A_400, %get3A_401] {strides = array<i32>} : memref<512x64xf32, #tpu.memory_space<vmem>>, vector<1x16xf32>,
        %get3A_403 = vector.shape_cast %get3A_402 : vector<1x16xf32> to vector<16xf32>
        %mul3A_404 = arith.constant 8.000000e+00 : f32
        %mul3A_405 = vector.broadcast %mul3A_404 : f32 to vector<16xf32>
        %mul3A_406 = arith.mulf %get3A_403, %mul3A_405 : vector<16xf32>
        %add3A_407 = arith.constant 5 : i32
        %add3A_408 = arith.addi %add3A_63, %add3A_407 : i32
        %swap3A_409 = arith.index_cast %add3A_408 : i32 to index
        %swap3A_410 = arith.constant 16 : index
        %swap3A_411 = tpu.vector_load %arg6[%swap3A_409, %swap3A_410] {strides = array<i32>} : memref<512x64xf32, #tpu.memory_space<vmem>>, vector<1x16xf32>,
        %swap3A_412 = vector.shape_cast %swap3A_411 : vector<1x16xf32> to vector<16xf32>
        %swap3A_413 = vector.shape_cast %mul3A_406 : vector<16xf32> to vector<1x16xf32>
        tpu.vector_store %arg6[%swap3A_409, %swap3A_410], %swap3A_413 {strides = array<i32>} : memref<512x64xf32, #tpu.memory_space<vmem>>, vector<1x16xf32>,
        %add3A_414 = arith.constant 5 : i32
        %add3A_415 = arith.addi %add3A_63, %add3A_414 : i32
        %get3A_416 = arith.index_cast %add3A_415 : i32 to index
        %get3A_417 = arith.constant 32 : index
        %get3A_418 = tpu.vector_load %arg6[%get3A_416, %get3A_417] {strides = array<i32>} : memref<512x64xf32, #tpu.memory_space<vmem>>, vector<1x16xf32>,
        %get3A_419 = vector.shape_cast %get3A_418 : vector<1x16xf32> to vector<16xf32>
        %mul3A_420 = arith.constant 8.000000e+00 : f32
        %mul3A_421 = vector.broadcast %mul3A_420 : f32 to vector<16xf32>
        %mul3A_422 = arith.mulf %get3A_419, %mul3A_421 : vector<16xf32>
        %add3A_423 = arith.constant 5 : i32
        %add3A_424 = arith.addi %add3A_63, %add3A_423 : i32
        %swap3A_425 = arith.index_cast %add3A_424 : i32 to index
        %swap3A_426 = arith.constant 32 : index
        %swap3A_427 = tpu.vector_load %arg6[%swap3A_425, %swap3A_426] {strides = array<i32>} : memref<512x64xf32, #tpu.memory_space<vmem>>, vector<1x16xf32>,
        %swap3A_428 = vector.shape_cast %swap3A_427 : vector<1x16xf32> to vector<16xf32>
        %swap3A_429 = vector.shape_cast %mul3A_422 : vector<16xf32> to vector<1x16xf32>
        tpu.vector_store %arg6[%swap3A_425, %swap3A_426], %swap3A_429 {strides = array<i32>} : memref<512x64xf32, #tpu.memory_space<vmem>>, vector<1x16xf32>,
        %add3A_430 = arith.constant 5 : i32
        %add3A_431 = arith.addi %add3A_63, %add3A_430 : i32
        %get3A_432 = arith.index_cast %add3A_431 : i32 to index
        %get3A_433 = arith.constant 48 : index
        %get3A_434 = tpu.vector_load %arg6[%get3A_432, %get3A_433] {strides = array<i32>} : memref<512x64xf32, #tpu.memory_space<vmem>>, vector<1x16xf32>,
        %get3A_435 = vector.shape_cast %get3A_434 : vector<1x16xf32> to vector<16xf32>
        %mul3A_436 = arith.constant 8.000000e+00 : f32
        %mul3A_437 = vector.broadcast %mul3A_436 : f32 to vector<16xf32>
        %mul3A_438 = arith.mulf %get3A_435, %mul3A_437 : vector<16xf32>
        %add3A_439 = arith.constant 5 : i32
        %add3A_440 = arith.addi %add3A_63, %add3A_439 : i32
        %swap3A_441 = arith.index_cast %add3A_440 : i32 to index
        %swap3A_442 = arith.constant 48 : index
        %swap3A_443 = tpu.vector_load %arg6[%swap3A_441, %swap3A_442] {strides = array<i32>} : memref<512x64xf32, #tpu.memory_space<vmem>>, vector<1x16xf32>,
        %swap3A_444 = vector.shape_cast %swap3A_443 : vector<1x16xf32> to vector<16xf32>
        %swap3A_445 = vector.shape_cast %mul3A_438 : vector<16xf32> to vector<1x16xf32>
        tpu.vector_store %arg6[%swap3A_441, %swap3A_442], %swap3A_445 {strides = array<i32>} : memref<512x64xf32, #tpu.memory_space<vmem>>, vector<1x16xf32>,
        %add3A_446 = arith.constant 6 : i32
        %add3A_447 = arith.addi %add3A_63, %add3A_446 : i32
        %get3A_448 = arith.index_cast %add3A_447 : i32 to index
        %get3A_449 = arith.constant 0 : index
        %get3A_450 = tpu.vector_load %arg6[%get3A_448, %get3A_449] {strides = array<i32>} : memref<512x64xf32, #tpu.memory_space<vmem>>, vector<1x16xf32>,
        %get3A_451 = vector.shape_cast %get3A_450 : vector<1x16xf32> to vector<16xf32>
        %mul3A_452 = arith.constant 8.000000e+00 : f32
        %mul3A_453 = vector.broadcast %mul3A_452 : f32 to vector<16xf32>
        %mul3A_454 = arith.mulf %get3A_451, %mul3A_453 : vector<16xf32>
        %add3A_455 = arith.constant 6 : i32
        %add3A_456 = arith.addi %add3A_63, %add3A_455 : i32
        %swap3A_457 = arith.index_cast %add3A_456 : i32 to index
        %swap3A_458 = arith.constant 0 : index
        %swap3A_459 = tpu.vector_load %arg6[%swap3A_457, %swap3A_458] {strides = array<i32>} : memref<512x64xf32, #tpu.memory_space<vmem>>, vector<1x16xf32>,
        %swap3A_460 = vector.shape_cast %swap3A_459 : vector<1x16xf32> to vector<16xf32>
        %swap3A_461 = vector.shape_cast %mul3A_454 : vector<16xf32> to vector<1x16xf32>
        tpu.vector_store %arg6[%swap3A_457, %swap3A_458], %swap3A_461 {strides = array<i32>} : memref<512x64xf32, #tpu.memory_space<vmem>>, vector<1x16xf32>,
        %add3A_462 = arith.constant 6 : i32
        %add3A_463 = arith.addi %add3A_63, %add3A_462 : i32
        %get3A_464 = arith.index_cast %add3A_463 : i32 to index
        %get3A_465 = arith.constant 16 : index
        %get3A_466 = tpu.vector_load %arg6[%get3A_464, %get3A_465] {strides = array<i32>} : memref<512x64xf32, #tpu.memory_space<vmem>>, vector<1x16xf32>,
        %get3A_467 = vector.shape_cast %get3A_466 : vector<1x16xf32> to vector<16xf32>
        %mul3A_468 = arith.constant 8.000000e+00 : f32
        %mul3A_469 = vector.broadcast %mul3A_468 : f32 to vector<16xf32>
        %mul3A_470 = arith.mulf %get3A_467, %mul3A_469 : vector<16xf32>
        %add3A_471 = arith.constant 6 : i32
        %add3A_472 = arith.addi %add3A_63, %add3A_471 : i32
        %swap3A_473 = arith.index_cast %add3A_472 : i32 to index
        %swap3A_474 = arith.constant 16 : index
        %swap3A_475 = tpu.vector_load %arg6[%swap3A_473, %swap3A_474] {strides = array<i32>} : memref<512x64xf32, #tpu.memory_space<vmem>>, vector<1x16xf32>,
        %swap3A_476 = vector.shape_cast %swap3A_475 : vector<1x16xf32> to vector<16xf32>
        %swap3A_477 = vector.shape_cast %mul3A_470 : vector<16xf32> to vector<1x16xf32>
        tpu.vector_store %arg6[%swap3A_473, %swap3A_474], %swap3A_477 {strides = array<i32>} : memref<512x64xf32, #tpu.memory_space<vmem>>, vector<1x16xf32>,
        %add3A_478 = arith.constant 6 : i32
        %add3A_479 = arith.addi %add3A_63, %add3A_478 : i32
        %get3A_480 = arith.index_cast %add3A_479 : i32 to index
        %get3A_481 = arith.constant 32 : index
        %get3A_482 = tpu.vector_load %arg6[%get3A_480, %get3A_481] {strides = array<i32>} : memref<512x64xf32, #tpu.memory_space<vmem>>, vector<1x16xf32>,
        %get3A_483 = vector.shape_cast %get3A_482 : vector<1x16xf32> to vector<16xf32>
        %mul3A_484 = arith.constant 8.000000e+00 : f32
        %mul3A_485 = vector.broadcast %mul3A_484 : f32 to vector<16xf32>
        %mul3A_486 = arith.mulf %get3A_483, %mul3A_485 : vector<16xf32>
        %add3A_487 = arith.constant 6 : i32
        %add3A_488 = arith.addi %add3A_63, %add3A_487 : i32
        %swap3A_489 = arith.index_cast %add3A_488 : i32 to index
        %swap3A_490 = arith.constant 32 : index
        %swap3A_491 = tpu.vector_load %arg6[%swap3A_489, %swap3A_490] {strides = array<i32>} : memref<512x64xf32, #tpu.memory_space<vmem>>, vector<1x16xf32>,
        %swap3A_492 = vector.shape_cast %swap3A_491 : vector<1x16xf32> to vector<16xf32>
        %swap3A_493 = vector.shape_cast %mul3A_486 : vector<16xf32> to vector<1x16xf32>
        tpu.vector_store %arg6[%swap3A_489, %swap3A_490], %swap3A_493 {strides = array<i32>} : memref<512x64xf32, #tpu.memory_space<vmem>>, vector<1x16xf32>,
        %add3A_494 = arith.constant 6 : i32
        %add3A_495 = arith.addi %add3A_63, %add3A_494 : i32
        %get3A_496 = arith.index_cast %add3A_495 : i32 to index
        %get3A_497 = arith.constant 48 : index
        %get3A_498 = tpu.vector_load %arg6[%get3A_496, %get3A_497] {strides = array<i32>} : memref<512x64xf32, #tpu.memory_space<vmem>>, vector<1x16xf32>,
        %get3A_499 = vector.shape_cast %get3A_498 : vector<1x16xf32> to vector<16xf32>
        %mul3A_500 = arith.constant 8.000000e+00 : f32
        %mul3A_501 = vector.broadcast %mul3A_500 : f32 to vector<16xf32>
        %mul3A_502 = arith.mulf %get3A_499, %mul3A_501 : vector<16xf32>
        %add3A_503 = arith.constant 6 : i32
        %add3A_504 = arith.addi %add3A_63, %add3A_503 : i32
        %swap3A_505 = arith.index_cast %add3A_504 : i32 to index
        %swap3A_506 = arith.constant 48 : index
        %swap3A_507 = tpu.vector_load %arg6[%swap3A_505, %swap3A_506] {strides = array<i32>} : memref<512x64xf32, #tpu.memory_space<vmem>>, vector<1x16xf32>,
        %swap3A_508 = vector.shape_cast %swap3A_507 : vector<1x16xf32> to vector<16xf32>
        %swap3A_509 = vector.shape_cast %mul3A_502 : vector<16xf32> to vector<1x16xf32>
        tpu.vector_store %arg6[%swap3A_505, %swap3A_506], %swap3A_509 {strides = array<i32>} : memref<512x64xf32, #tpu.memory_space<vmem>>, vector<1x16xf32>,
        %add3A_510 = arith.constant 7 : i32
        %add3A_511 = arith.addi %add3A_63, %add3A_510 : i32
        %get3A_512 = arith.index_cast %add3A_511 : i32 to index
        %get3A_513 = arith.constant 0 : index
        %get3A_514 = tpu.vector_load %arg6[%get3A_512, %get3A_513] {strides = array<i32>} : memref<512x64xf32, #tpu.memory_space<vmem>>, vector<1x16xf32>,
        %get3A_515 = vector.shape_cast %get3A_514 : vector<1x16xf32> to vector<16xf32>
        %mul3A_516 = arith.constant 8.000000e+00 : f32
        %mul3A_517 = vector.broadcast %mul3A_516 : f32 to vector<16xf32>
        %mul3A_518 = arith.mulf %get3A_515, %mul3A_517 : vector<16xf32>
        %add3A_519 = arith.constant 7 : i32
        %add3A_520 = arith.addi %add3A_63, %add3A_519 : i32
        %swap3A_521 = arith.index_cast %add3A_520 : i32 to index
        %swap3A_522 = arith.constant 0 : index
        %swap3A_523 = tpu.vector_load %arg6[%swap3A_521, %swap3A_522] {strides = array<i32>} : memref<512x64xf32, #tpu.memory_space<vmem>>, vector<1x16xf32>,
        %swap3A_524 = vector.shape_cast %swap3A_523 : vector<1x16xf32> to vector<16xf32>
        %swap3A_525 = vector.shape_cast %mul3A_518 : vector<16xf32> to vector<1x16xf32>
        tpu.vector_store %arg6[%swap3A_521, %swap3A_522], %swap3A_525 {strides = array<i32>} : memref<512x64xf32, #tpu.memory_space<vmem>>, vector<1x16xf32>,
        %add3A_526 = arith.constant 7 : i32
        %add3A_527 = arith.addi %add3A_63, %add3A_526 : i32
        %get3A_528 = arith.index_cast %add3A_527 : i32 to index
        %get3A_529 = arith.constant 16 : index
        %get3A_530 = tpu.vector_load %arg6[%get3A_528, %get3A_529] {strides = array<i32>} : memref<512x64xf32, #tpu.memory_space<vmem>>, vector<1x16xf32>,
        %get3A_531 = vector.shape_cast %get3A_530 : vector<1x16xf32> to vector<16xf32>
        %mul3A_532 = arith.constant 8.000000e+00 : f32
        %mul3A_533 = vector.broadcast %mul3A_532 : f32 to vector<16xf32>
        %mul3A_534 = arith.mulf %get3A_531, %mul3A_533 : vector<16xf32>
        %add3A_535 = arith.constant 7 : i32
        %add3A_536 = arith.addi %add3A_63, %add3A_535 : i32
        %swap3A_537 = arith.index_cast %add3A_536 : i32 to index
        %swap3A_538 = arith.constant 16 : index
        %swap3A_539 = tpu.vector_load %arg6[%swap3A_537, %swap3A_538] {strides = array<i32>} : memref<512x64xf32, #tpu.memory_space<vmem>>, vector<1x16xf32>,
        %swap3A_540 = vector.shape_cast %swap3A_539 : vector<1x16xf32> to vector<16xf32>
        %swap3A_541 = vector.shape_cast %mul3A_534 : vector<16xf32> to vector<1x16xf32>
        tpu.vector_store %arg6[%swap3A_537, %swap3A_538], %swap3A_541 {strides = array<i32>} : memref<512x64xf32, #tpu.memory_space<vmem>>, vector<1x16xf32>,
        %add3A_542 = arith.constant 7 : i32
        %add3A_543 = arith.addi %add3A_63, %add3A_542 : i32
        %get3A_544 = arith.index_cast %add3A_543 : i32 to index
        %get3A_545 = arith.constant 32 : index
        %get3A_546 = tpu.vector_load %arg6[%get3A_544, %get3A_545] {strides = array<i32>} : memref<512x64xf32, #tpu.memory_space<vmem>>, vector<1x16xf32>,
        %get3A_547 = vector.shape_cast %get3A_546 : vector<1x16xf32> to vector<16xf32>
        %mul3A_548 = arith.constant 8.000000e+00 : f32
        %mul3A_549 = vector.broadcast %mul3A_548 : f32 to vector<16xf32>
        %mul3A_550 = arith.mulf %get3A_547, %mul3A_549 : vector<16xf32>
        %add3A_551 = arith.constant 7 : i32
        %add3A_552 = arith.addi %add3A_63, %add3A_551 : i32
        %swap3A_553 = arith.index_cast %add3A_552 : i32 to index
        %swap3A_554 = arith.constant 32 : index
        %swap3A_555 = tpu.vector_load %arg6[%swap3A_553, %swap3A_554] {strides = array<i32>} : memref<512x64xf32, #tpu.memory_space<vmem>>, vector<1x16xf32>,
        %swap3A_556 = vector.shape_cast %swap3A_555 : vector<1x16xf32> to vector<16xf32>
        %swap3A_557 = vector.shape_cast %mul3A_550 : vector<16xf32> to vector<1x16xf32>
        tpu.vector_store %arg6[%swap3A_553, %swap3A_554], %swap3A_557 {strides = array<i32>} : memref<512x64xf32, #tpu.memory_space<vmem>>, vector<1x16xf32>,
        %add3A_558 = arith.constant 7 : i32
        %add3A_559 = arith.addi %add3A_63, %add3A_558 : i32
        %get3A_560 = arith.index_cast %add3A_559 : i32 to index
        %get3A_561 = arith.constant 48 : index
        %get3A_562 = tpu.vector_load %arg6[%get3A_560, %get3A_561] {strides = array<i32>} : memref<512x64xf32, #tpu.memory_space<vmem>>, vector<1x16xf32>,
        %get3A_563 = vector.shape_cast %get3A_562 : vector<1x16xf32> to vector<16xf32>
        %mul3A_564 = arith.constant 8.000000e+00 : f32
        %mul3A_565 = vector.broadcast %mul3A_564 : f32 to vector<16xf32>
        %mul3A_566 = arith.mulf %get3A_563, %mul3A_565 : vector<16xf32>
        %add3A_567 = arith.constant 7 : i32
        %add3A_568 = arith.addi %add3A_63, %add3A_567 : i32
        %swap3A_569 = arith.index_cast %add3A_568 : i32 to index
        %swap3A_570 = arith.constant 48 : index
        %swap3A_571 = tpu.vector_load %arg6[%swap3A_569, %swap3A_570] {strides = array<i32>} : memref<512x64xf32, #tpu.memory_space<vmem>>, vector<1x16xf32>,
        %swap3A_572 = vector.shape_cast %swap3A_571 : vector<1x16xf32> to vector<16xf32>
        %swap3A_573 = vector.shape_cast %mul3A_566 : vector<16xf32> to vector<1x16xf32>
        tpu.vector_store %arg6[%swap3A_569, %swap3A_570], %swap3A_573 {strides = array<i32>} : memref<512x64xf32, #tpu.memory_space<vmem>>, vector<1x16xf32>,
      }
      %scan3A_32 = arith.constant 64 : i32
      %mul3A_33 = arith.constant 512 : i32
      %mul3A_34 = arith.muli %add3A_22, %mul3A_33 : i32
      %add3A_35 = arith.addi %mul3A_2, %mul3A_34 : i32
      "tpu.region"() ({
        %run_scoped3A = tpu.sem_alloc : memref<!tpu.dma_semaphore, #tpu.memory_space<semaphore_mem>>
        %dma_start3A_59 = arith.constant 0 : i32
        %dma_start3A_60 = tpu.memref_slice %arg4[%add3A_35, %dma_start3A_59] : memref<819200x64xf32, #tpu.memory_space<hbm>> -> memref<512x64xf32, #tpu.memory_space<hbm>>
        %dma_start3A_61 = arith.constant 0 : i32
        %dma_start3A_62 = tpu.memref_slice %arg4[%add3A_35, %dma_start3A_61] : memref<819200x64xf32, #tpu.memory_space<hbm>> -> memref<512x64xf32, #tpu.memory_space<hbm>>
        tpu.enqueue_dma source(%arg6 : memref<512x64xf32, #tpu.memory_space<vmem>>) target(%dma_start3A_62 : memref<512x64xf32, #tpu.memory_space<hbm>>) target_semaphore(%run_scoped3A : memref<!tpu.dma_semaphore, #tpu.memory_space<semaphore_mem>>)
        %dma_wait3A_63 = arith.constant 0 : i32
        %dma_wait3A_64 = tpu.memref_slice %arg4[%add3A_35, %dma_wait3A_63] : memref<819200x64xf32, #tpu.memory_space<hbm>> -> memref<512x64xf32, #tpu.memory_space<hbm>>
        %dma_wait3A_65 = arith.constant 0 : i32
        %dma_wait3A_66 = tpu.memref_slice %arg4[%add3A_35, %dma_wait3A_65] : memref<819200x64xf32, #tpu.memory_space<hbm>> -> memref<512x64xf32, #tpu.memory_space<hbm>>
        tpu.wait_dma2 semaphore(%run_scoped3A : memref<!tpu.dma_semaphore, #tpu.memory_space<semaphore_mem>>) src(%arg6 : memref<512x64xf32, #tpu.memory_space<vmem>>) dst(%dma_wait3A_66 : memref<512x64xf32, #tpu.memory_space<hbm>>)
        tpu.yield
      }) : () -> ()
      %lt3A = arith.constant 48 : i32
      %lt3A_36 = arith.cmpi slt, %add3A_22, %lt3A : i32
      %convert_element_type3A = arith.extui %lt3A_36 : i1 to i32
      %cond3A = arith.constant 0 : i32
      %cond3A_37 = arith.cmpi ne, %convert_element_type3A, %cond3A : i32
      scf.if %cond3A_37 {
        %add3A_59 = arith.constant 2 : i32
        %add3A_60 = arith.addi %add3A_22, %add3A_59 : i32
        %mul3A_61 = arith.constant 512 : i32
        %mul3A_62 = arith.muli %add3A_60, %mul3A_61 : i32
        %dma_start3A_63 = tpu.memref_slice %arg5[%mul3A_62] : memref<25600xi32, #tpu.memory_space<vmem>> -> memref<512xi32, #tpu.memory_space<vmem>>
        %dma_start3A_64 = arith.constant 0 : i32
        %dma_start3A_65 = arith.constant 0 : i32
        %dma_start3A_66 = tpu.memref_slice %arg3[%dma_start3A_64, %dma_start3A_65] : memref<1000000x64xf32, #tpu.memory_space<hbm>> -> memref<1000000x64xf32, #tpu.memory_space<hbm>>
        tpu.enqueue_indirect_dma source(%dma_start3A_66 : memref<1000000x64xf32, #tpu.memory_space<hbm>>) target(%arg6 : memref<512x64xf32, #tpu.memory_space<vmem>>) offsets(%dma_start3A_63 : memref<512xi32, #tpu.memory_space<vmem>>) semaphore(%arg8 : memref<!tpu.dma_semaphore, #tpu.memory_space<semaphore_mem>>)
      } else {
      }
      %add3A_38 = arith.constant 1 : i32
      %add3A_39 = arith.addi %add3A_20, %add3A_38 : i32
      %mul3A_40 = arith.constant 512 : i32
      %mul3A_41 = arith.muli %add3A_39, %mul3A_40 : i32
      %dma_wait3A_42 = tpu.memref_slice %arg5[%mul3A_41] : memref<25600xi32, #tpu.memory_space<vmem>> -> memref<512xi32, #tpu.memory_space<vmem>>
      %dma_wait3A_43 = arith.constant 0 : i32
      %dma_wait3A_44 = arith.constant 0 : i32
      %dma_wait3A_45 = tpu.memref_slice %arg3[%dma_wait3A_43, %dma_wait3A_44] : memref<1000000x64xf32, #tpu.memory_space<hbm>> -> memref<1000000x64xf32, #tpu.memory_space<hbm>>
      tpu.wait_indirect_dma semaphore(%arg9 : memref<!tpu.dma_semaphore, #tpu.memory_space<semaphore_mem>>) src(%dma_wait3A_45 : memref<1000000x64xf32, #tpu.memory_space<hbm>>) dst(%arg7 : memref<512x64xf32, #tpu.memory_space<vmem>>)
      %scan3A_46 = arith.constant 0 : i32
      %scan3A_47 = arith.constant 64 : i32
      %scan3A_48 = arith.addi %scan3A_46, %scan3A_47 : i32
      %scan3A_49 = arith.constant 1 : i32
      scf.for %scan3A_59 = %scan3A_46 to %scan3A_48 step %scan3A_49  : i32 {
        %mul3A_60 = arith.constant 8 : i32
        %mul3A_61 = arith.muli %scan3A_59, %mul3A_60 : i32
        %add3A_62 = arith.constant 0 : i32
        %add3A_63 = arith.addi %add3A_62, %mul3A_61 : i32
        %add3A_64 = arith.constant 0 : i32
        %add3A_65 = arith.addi %add3A_63, %add3A_64 : i32
        %get3A = arith.index_cast %add3A_65 : i32 to index
        %get3A_66 = arith.constant 0 : index
        %get3A_67 = tpu.vector_load %arg7[%get3A, %get3A_66] {strides = array<i32>} : memref<512x64xf32, #tpu.memory_space<vmem>>, vector<1x16xf32>,
        %get3A_68 = vector.shape_cast %get3A_67 : vector<1x16xf32> to vector<16xf32>
        %mul3A_69 = arith.constant 8.000000e+00 : f32
        %mul3A_70 = vector.broadcast %mul3A_69 : f32 to vector<16xf32>
        %mul3A_71 = arith.mulf %get3A_68, %mul3A_70 : vector<16xf32>
        %add3A_72 = arith.constant 0 : i32
        %add3A_73 = arith.addi %add3A_63, %add3A_72 : i32
        %swap3A = arith.index_cast %add3A_73 : i32 to index
        %swap3A_74 = arith.constant 0 : index
        %swap3A_75 = tpu.vector_load %arg7[%swap3A, %swap3A_74] {strides = array<i32>} : memref<512x64xf32, #tpu.memory_space<vmem>>, vector<1x16xf32>,
        %swap3A_76 = vector.shape_cast %swap3A_75 : vector<1x16xf32> to vector<16xf32>
        %swap3A_77 = vector.shape_cast %mul3A_71 : vector<16xf32> to vector<1x16xf32>
        tpu.vector_store %arg7[%swap3A, %swap3A_74], %swap3A_77 {strides = array<i32>} : memref<512x64xf32, #tpu.memory_space<vmem>>, vector<1x16xf32>,
        %add3A_78 = arith.constant 0 : i32
        %add3A_79 = arith.addi %add3A_63, %add3A_78 : i32
        %get3A_80 = arith.index_cast %add3A_79 : i32 to index
        %get3A_81 = arith.constant 16 : index
        %get3A_82 = tpu.vector_load %arg7[%get3A_80, %get3A_81] {strides = array<i32>} : memref<512x64xf32, #tpu.memory_space<vmem>>, vector<1x16xf32>,
        %get3A_83 = vector.shape_cast %get3A_82 : vector<1x16xf32> to vector<16xf32>
        %mul3A_84 = arith.constant 8.000000e+00 : f32
        %mul3A_85 = vector.broadcast %mul3A_84 : f32 to vector<16xf32>
        %mul3A_86 = arith.mulf %get3A_83, %mul3A_85 : vector<16xf32>
        %add3A_87 = arith.constant 0 : i32
        %add3A_88 = arith.addi %add3A_63, %add3A_87 : i32
        %swap3A_89 = arith.index_cast %add3A_88 : i32 to index
        %swap3A_90 = arith.constant 16 : index
        %swap3A_91 = tpu.vector_load %arg7[%swap3A_89, %swap3A_90] {strides = array<i32>} : memref<512x64xf32, #tpu.memory_space<vmem>>, vector<1x16xf32>,
        %swap3A_92 = vector.shape_cast %swap3A_91 : vector<1x16xf32> to vector<16xf32>
        %swap3A_93 = vector.shape_cast %mul3A_86 : vector<16xf32> to vector<1x16xf32>
        tpu.vector_store %arg7[%swap3A_89, %swap3A_90], %swap3A_93 {strides = array<i32>} : memref<512x64xf32, #tpu.memory_space<vmem>>, vector<1x16xf32>,
        %add3A_94 = arith.constant 0 : i32
        %add3A_95 = arith.addi %add3A_63, %add3A_94 : i32
        %get3A_96 = arith.index_cast %add3A_95 : i32 to index
        %get3A_97 = arith.constant 32 : index
        %get3A_98 = tpu.vector_load %arg7[%get3A_96, %get3A_97] {strides = array<i32>} : memref<512x64xf32, #tpu.memory_space<vmem>>, vector<1x16xf32>,
        %get3A_99 = vector.shape_cast %get3A_98 : vector<1x16xf32> to vector<16xf32>
        %mul3A_100 = arith.constant 8.000000e+00 : f32
        %mul3A_101 = vector.broadcast %mul3A_100 : f32 to vector<16xf32>
        %mul3A_102 = arith.mulf %get3A_99, %mul3A_101 : vector<16xf32>
        %add3A_103 = arith.constant 0 : i32
        %add3A_104 = arith.addi %add3A_63, %add3A_103 : i32
        %swap3A_105 = arith.index_cast %add3A_104 : i32 to index
        %swap3A_106 = arith.constant 32 : index
        %swap3A_107 = tpu.vector_load %arg7[%swap3A_105, %swap3A_106] {strides = array<i32>} : memref<512x64xf32, #tpu.memory_space<vmem>>, vector<1x16xf32>,
        %swap3A_108 = vector.shape_cast %swap3A_107 : vector<1x16xf32> to vector<16xf32>
        %swap3A_109 = vector.shape_cast %mul3A_102 : vector<16xf32> to vector<1x16xf32>
        tpu.vector_store %arg7[%swap3A_105, %swap3A_106], %swap3A_109 {strides = array<i32>} : memref<512x64xf32, #tpu.memory_space<vmem>>, vector<1x16xf32>,
        %add3A_110 = arith.constant 0 : i32
        %add3A_111 = arith.addi %add3A_63, %add3A_110 : i32
        %get3A_112 = arith.index_cast %add3A_111 : i32 to index
        %get3A_113 = arith.constant 48 : index
        %get3A_114 = tpu.vector_load %arg7[%get3A_112, %get3A_113] {strides = array<i32>} : memref<512x64xf32, #tpu.memory_space<vmem>>, vector<1x16xf32>,
        %get3A_115 = vector.shape_cast %get3A_114 : vector<1x16xf32> to vector<16xf32>
        %mul3A_116 = arith.constant 8.000000e+00 : f32
        %mul3A_117 = vector.broadcast %mul3A_116 : f32 to vector<16xf32>
        %mul3A_118 = arith.mulf %get3A_115, %mul3A_117 : vector<16xf32>
        %add3A_119 = arith.constant 0 : i32
        %add3A_120 = arith.addi %add3A_63, %add3A_119 : i32
        %swap3A_121 = arith.index_cast %add3A_120 : i32 to index
        %swap3A_122 = arith.constant 48 : index
        %swap3A_123 = tpu.vector_load %arg7[%swap3A_121, %swap3A_122] {strides = array<i32>} : memref<512x64xf32, #tpu.memory_space<vmem>>, vector<1x16xf32>,
        %swap3A_124 = vector.shape_cast %swap3A_123 : vector<1x16xf32> to vector<16xf32>
        %swap3A_125 = vector.shape_cast %mul3A_118 : vector<16xf32> to vector<1x16xf32>
        tpu.vector_store %arg7[%swap3A_121, %swap3A_122], %swap3A_125 {strides = array<i32>} : memref<512x64xf32, #tpu.memory_space<vmem>>, vector<1x16xf32>,
        %add3A_126 = arith.constant 1 : i32
        %add3A_127 = arith.addi %add3A_63, %add3A_126 : i32
        %get3A_128 = arith.index_cast %add3A_127 : i32 to index
        %get3A_129 = arith.constant 0 : index
        %get3A_130 = tpu.vector_load %arg7[%get3A_128, %get3A_129] {strides = array<i32>} : memref<512x64xf32, #tpu.memory_space<vmem>>, vector<1x16xf32>,
        %get3A_131 = vector.shape_cast %get3A_130 : vector<1x16xf32> to vector<16xf32>
        %mul3A_132 = arith.constant 8.000000e+00 : f32
        %mul3A_133 = vector.broadcast %mul3A_132 : f32 to vector<16xf32>
        %mul3A_134 = arith.mulf %get3A_131, %mul3A_133 : vector<16xf32>
        %add3A_135 = arith.constant 1 : i32
        %add3A_136 = arith.addi %add3A_63, %add3A_135 : i32
        %swap3A_137 = arith.index_cast %add3A_136 : i32 to index
        %swap3A_138 = arith.constant 0 : index
        %swap3A_139 = tpu.vector_load %arg7[%swap3A_137, %swap3A_138] {strides = array<i32>} : memref<512x64xf32, #tpu.memory_space<vmem>>, vector<1x16xf32>,
        %swap3A_140 = vector.shape_cast %swap3A_139 : vector<1x16xf32> to vector<16xf32>
        %swap3A_141 = vector.shape_cast %mul3A_134 : vector<16xf32> to vector<1x16xf32>
        tpu.vector_store %arg7[%swap3A_137, %swap3A_138], %swap3A_141 {strides = array<i32>} : memref<512x64xf32, #tpu.memory_space<vmem>>, vector<1x16xf32>,
        %add3A_142 = arith.constant 1 : i32
        %add3A_143 = arith.addi %add3A_63, %add3A_142 : i32
        %get3A_144 = arith.index_cast %add3A_143 : i32 to index
        %get3A_145 = arith.constant 16 : index
        %get3A_146 = tpu.vector_load %arg7[%get3A_144, %get3A_145] {strides = array<i32>} : memref<512x64xf32, #tpu.memory_space<vmem>>, vector<1x16xf32>,
        %get3A_147 = vector.shape_cast %get3A_146 : vector<1x16xf32> to vector<16xf32>
        %mul3A_148 = arith.constant 8.000000e+00 : f32
        %mul3A_149 = vector.broadcast %mul3A_148 : f32 to vector<16xf32>
        %mul3A_150 = arith.mulf %get3A_147, %mul3A_149 : vector<16xf32>
        %add3A_151 = arith.constant 1 : i32
        %add3A_152 = arith.addi %add3A_63, %add3A_151 : i32
        %swap3A_153 = arith.index_cast %add3A_152 : i32 to index
        %swap3A_154 = arith.constant 16 : index
        %swap3A_155 = tpu.vector_load %arg7[%swap3A_153, %swap3A_154] {strides = array<i32>} : memref<512x64xf32, #tpu.memory_space<vmem>>, vector<1x16xf32>,
        %swap3A_156 = vector.shape_cast %swap3A_155 : vector<1x16xf32> to vector<16xf32>
        %swap3A_157 = vector.shape_cast %mul3A_150 : vector<16xf32> to vector<1x16xf32>
        tpu.vector_store %arg7[%swap3A_153, %swap3A_154], %swap3A_157 {strides = array<i32>} : memref<512x64xf32, #tpu.memory_space<vmem>>, vector<1x16xf32>,
        %add3A_158 = arith.constant 1 : i32
        %add3A_159 = arith.addi %add3A_63, %add3A_158 : i32
        %get3A_160 = arith.index_cast %add3A_159 : i32 to index
        %get3A_161 = arith.constant 32 : index
        %get3A_162 = tpu.vector_load %arg7[%get3A_160, %get3A_161] {strides = array<i32>} : memref<512x64xf32, #tpu.memory_space<vmem>>, vector<1x16xf32>,
        %get3A_163 = vector.shape_cast %get3A_162 : vector<1x16xf32> to vector<16xf32>
        %mul3A_164 = arith.constant 8.000000e+00 : f32
        %mul3A_165 = vector.broadcast %mul3A_164 : f32 to vector<16xf32>
        %mul3A_166 = arith.mulf %get3A_163, %mul3A_165 : vector<16xf32>
        %add3A_167 = arith.constant 1 : i32
        %add3A_168 = arith.addi %add3A_63, %add3A_167 : i32
        %swap3A_169 = arith.index_cast %add3A_168 : i32 to index
        %swap3A_170 = arith.constant 32 : index
        %swap3A_171 = tpu.vector_load %arg7[%swap3A_169, %swap3A_170] {strides = array<i32>} : memref<512x64xf32, #tpu.memory_space<vmem>>, vector<1x16xf32>,
        %swap3A_172 = vector.shape_cast %swap3A_171 : vector<1x16xf32> to vector<16xf32>
        %swap3A_173 = vector.shape_cast %mul3A_166 : vector<16xf32> to vector<1x16xf32>
        tpu.vector_store %arg7[%swap3A_169, %swap3A_170], %swap3A_173 {strides = array<i32>} : memref<512x64xf32, #tpu.memory_space<vmem>>, vector<1x16xf32>,
        %add3A_174 = arith.constant 1 : i32
        %add3A_175 = arith.addi %add3A_63, %add3A_174 : i32
        %get3A_176 = arith.index_cast %add3A_175 : i32 to index
        %get3A_177 = arith.constant 48 : index
        %get3A_178 = tpu.vector_load %arg7[%get3A_176, %get3A_177] {strides = array<i32>} : memref<512x64xf32, #tpu.memory_space<vmem>>, vector<1x16xf32>,
        %get3A_179 = vector.shape_cast %get3A_178 : vector<1x16xf32> to vector<16xf32>
        %mul3A_180 = arith.constant 8.000000e+00 : f32
        %mul3A_181 = vector.broadcast %mul3A_180 : f32 to vector<16xf32>
        %mul3A_182 = arith.mulf %get3A_179, %mul3A_181 : vector<16xf32>
        %add3A_183 = arith.constant 1 : i32
        %add3A_184 = arith.addi %add3A_63, %add3A_183 : i32
        %swap3A_185 = arith.index_cast %add3A_184 : i32 to index
        %swap3A_186 = arith.constant 48 : index
        %swap3A_187 = tpu.vector_load %arg7[%swap3A_185, %swap3A_186] {strides = array<i32>} : memref<512x64xf32, #tpu.memory_space<vmem>>, vector<1x16xf32>,
        %swap3A_188 = vector.shape_cast %swap3A_187 : vector<1x16xf32> to vector<16xf32>
        %swap3A_189 = vector.shape_cast %mul3A_182 : vector<16xf32> to vector<1x16xf32>
        tpu.vector_store %arg7[%swap3A_185, %swap3A_186], %swap3A_189 {strides = array<i32>} : memref<512x64xf32, #tpu.memory_space<vmem>>, vector<1x16xf32>,
        %add3A_190 = arith.constant 2 : i32
        %add3A_191 = arith.addi %add3A_63, %add3A_190 : i32
        %get3A_192 = arith.index_cast %add3A_191 : i32 to index
        %get3A_193 = arith.constant 0 : index
        %get3A_194 = tpu.vector_load %arg7[%get3A_192, %get3A_193] {strides = array<i32>} : memref<512x64xf32, #tpu.memory_space<vmem>>, vector<1x16xf32>,
        %get3A_195 = vector.shape_cast %get3A_194 : vector<1x16xf32> to vector<16xf32>
        %mul3A_196 = arith.constant 8.000000e+00 : f32
        %mul3A_197 = vector.broadcast %mul3A_196 : f32 to vector<16xf32>
        %mul3A_198 = arith.mulf %get3A_195, %mul3A_197 : vector<16xf32>
        %add3A_199 = arith.constant 2 : i32
        %add3A_200 = arith.addi %add3A_63, %add3A_199 : i32
        %swap3A_201 = arith.index_cast %add3A_200 : i32 to index
        %swap3A_202 = arith.constant 0 : index
        %swap3A_203 = tpu.vector_load %arg7[%swap3A_201, %swap3A_202] {strides = array<i32>} : memref<512x64xf32, #tpu.memory_space<vmem>>, vector<1x16xf32>,
        %swap3A_204 = vector.shape_cast %swap3A_203 : vector<1x16xf32> to vector<16xf32>
        %swap3A_205 = vector.shape_cast %mul3A_198 : vector<16xf32> to vector<1x16xf32>
        tpu.vector_store %arg7[%swap3A_201, %swap3A_202], %swap3A_205 {strides = array<i32>} : memref<512x64xf32, #tpu.memory_space<vmem>>, vector<1x16xf32>,
        %add3A_206 = arith.constant 2 : i32
        %add3A_207 = arith.addi %add3A_63, %add3A_206 : i32
        %get3A_208 = arith.index_cast %add3A_207 : i32 to index
        %get3A_209 = arith.constant 16 : index
        %get3A_210 = tpu.vector_load %arg7[%get3A_208, %get3A_209] {strides = array<i32>} : memref<512x64xf32, #tpu.memory_space<vmem>>, vector<1x16xf32>,
        %get3A_211 = vector.shape_cast %get3A_210 : vector<1x16xf32> to vector<16xf32>
        %mul3A_212 = arith.constant 8.000000e+00 : f32
        %mul3A_213 = vector.broadcast %mul3A_212 : f32 to vector<16xf32>
        %mul3A_214 = arith.mulf %get3A_211, %mul3A_213 : vector<16xf32>
        %add3A_215 = arith.constant 2 : i32
        %add3A_216 = arith.addi %add3A_63, %add3A_215 : i32
        %swap3A_217 = arith.index_cast %add3A_216 : i32 to index
        %swap3A_218 = arith.constant 16 : index
        %swap3A_219 = tpu.vector_load %arg7[%swap3A_217, %swap3A_218] {strides = array<i32>} : memref<512x64xf32, #tpu.memory_space<vmem>>, vector<1x16xf32>,
        %swap3A_220 = vector.shape_cast %swap3A_219 : vector<1x16xf32> to vector<16xf32>
        %swap3A_221 = vector.shape_cast %mul3A_214 : vector<16xf32> to vector<1x16xf32>
        tpu.vector_store %arg7[%swap3A_217, %swap3A_218], %swap3A_221 {strides = array<i32>} : memref<512x64xf32, #tpu.memory_space<vmem>>, vector<1x16xf32>,
        %add3A_222 = arith.constant 2 : i32
        %add3A_223 = arith.addi %add3A_63, %add3A_222 : i32
        %get3A_224 = arith.index_cast %add3A_223 : i32 to index
        %get3A_225 = arith.constant 32 : index
        %get3A_226 = tpu.vector_load %arg7[%get3A_224, %get3A_225] {strides = array<i32>} : memref<512x64xf32, #tpu.memory_space<vmem>>, vector<1x16xf32>,
        %get3A_227 = vector.shape_cast %get3A_226 : vector<1x16xf32> to vector<16xf32>
        %mul3A_228 = arith.constant 8.000000e+00 : f32
        %mul3A_229 = vector.broadcast %mul3A_228 : f32 to vector<16xf32>
        %mul3A_230 = arith.mulf %get3A_227, %mul3A_229 : vector<16xf32>
        %add3A_231 = arith.constant 2 : i32
        %add3A_232 = arith.addi %add3A_63, %add3A_231 : i32
        %swap3A_233 = arith.index_cast %add3A_232 : i32 to index
        %swap3A_234 = arith.constant 32 : index
        %swap3A_235 = tpu.vector_load %arg7[%swap3A_233, %swap3A_234] {strides = array<i32>} : memref<512x64xf32, #tpu.memory_space<vmem>>, vector<1x16xf32>,
        %swap3A_236 = vector.shape_cast %swap3A_235 : vector<1x16xf32> to vector<16xf32>
        %swap3A_237 = vector.shape_cast %mul3A_230 : vector<16xf32> to vector<1x16xf32>
        tpu.vector_store %arg7[%swap3A_233, %swap3A_234], %swap3A_237 {strides = array<i32>} : memref<512x64xf32, #tpu.memory_space<vmem>>, vector<1x16xf32>,
        %add3A_238 = arith.constant 2 : i32
        %add3A_239 = arith.addi %add3A_63, %add3A_238 : i32
        %get3A_240 = arith.index_cast %add3A_239 : i32 to index
        %get3A_241 = arith.constant 48 : index
        %get3A_242 = tpu.vector_load %arg7[%get3A_240, %get3A_241] {strides = array<i32>} : memref<512x64xf32, #tpu.memory_space<vmem>>, vector<1x16xf32>,
        %get3A_243 = vector.shape_cast %get3A_242 : vector<1x16xf32> to vector<16xf32>
        %mul3A_244 = arith.constant 8.000000e+00 : f32
        %mul3A_245 = vector.broadcast %mul3A_244 : f32 to vector<16xf32>
        %mul3A_246 = arith.mulf %get3A_243, %mul3A_245 : vector<16xf32>
        %add3A_247 = arith.constant 2 : i32
        %add3A_248 = arith.addi %add3A_63, %add3A_247 : i32
        %swap3A_249 = arith.index_cast %add3A_248 : i32 to index
        %swap3A_250 = arith.constant 48 : index
        %swap3A_251 = tpu.vector_load %arg7[%swap3A_249, %swap3A_250] {strides = array<i32>} : memref<512x64xf32, #tpu.memory_space<vmem>>, vector<1x16xf32>,
        %swap3A_252 = vector.shape_cast %swap3A_251 : vector<1x16xf32> to vector<16xf32>
        %swap3A_253 = vector.shape_cast %mul3A_246 : vector<16xf32> to vector<1x16xf32>
        tpu.vector_store %arg7[%swap3A_249, %swap3A_250], %swap3A_253 {strides = array<i32>} : memref<512x64xf32, #tpu.memory_space<vmem>>, vector<1x16xf32>,
        %add3A_254 = arith.constant 3 : i32
        %add3A_255 = arith.addi %add3A_63, %add3A_254 : i32
        %get3A_256 = arith.index_cast %add3A_255 : i32 to index
        %get3A_257 = arith.constant 0 : index
        %get3A_258 = tpu.vector_load %arg7[%get3A_256, %get3A_257] {strides = array<i32>} : memref<512x64xf32, #tpu.memory_space<vmem>>, vector<1x16xf32>,
        %get3A_259 = vector.shape_cast %get3A_258 : vector<1x16xf32> to vector<16xf32>
        %mul3A_260 = arith.constant 8.000000e+00 : f32
        %mul3A_261 = vector.broadcast %mul3A_260 : f32 to vector<16xf32>
        %mul3A_262 = arith.mulf %get3A_259, %mul3A_261 : vector<16xf32>
        %add3A_263 = arith.constant 3 : i32
        %add3A_264 = arith.addi %add3A_63, %add3A_263 : i32
        %swap3A_265 = arith.index_cast %add3A_264 : i32 to index
        %swap3A_266 = arith.constant 0 : index
        %swap3A_267 = tpu.vector_load %arg7[%swap3A_265, %swap3A_266] {strides = array<i32>} : memref<512x64xf32, #tpu.memory_space<vmem>>, vector<1x16xf32>,
        %swap3A_268 = vector.shape_cast %swap3A_267 : vector<1x16xf32> to vector<16xf32>
        %swap3A_269 = vector.shape_cast %mul3A_262 : vector<16xf32> to vector<1x16xf32>
        tpu.vector_store %arg7[%swap3A_265, %swap3A_266], %swap3A_269 {strides = array<i32>} : memref<512x64xf32, #tpu.memory_space<vmem>>, vector<1x16xf32>,
        %add3A_270 = arith.constant 3 : i32
        %add3A_271 = arith.addi %add3A_63, %add3A_270 : i32
        %get3A_272 = arith.index_cast %add3A_271 : i32 to index
        %get3A_273 = arith.constant 16 : index
        %get3A_274 = tpu.vector_load %arg7[%get3A_272, %get3A_273] {strides = array<i32>} : memref<512x64xf32, #tpu.memory_space<vmem>>, vector<1x16xf32>,
        %get3A_275 = vector.shape_cast %get3A_274 : vector<1x16xf32> to vector<16xf32>
        %mul3A_276 = arith.constant 8.000000e+00 : f32
        %mul3A_277 = vector.broadcast %mul3A_276 : f32 to vector<16xf32>
        %mul3A_278 = arith.mulf %get3A_275, %mul3A_277 : vector<16xf32>
        %add3A_279 = arith.constant 3 : i32
        %add3A_280 = arith.addi %add3A_63, %add3A_279 : i32
        %swap3A_281 = arith.index_cast %add3A_280 : i32 to index
        %swap3A_282 = arith.constant 16 : index
        %swap3A_283 = tpu.vector_load %arg7[%swap3A_281, %swap3A_282] {strides = array<i32>} : memref<512x64xf32, #tpu.memory_space<vmem>>, vector<1x16xf32>,
        %swap3A_284 = vector.shape_cast %swap3A_283 : vector<1x16xf32> to vector<16xf32>
        %swap3A_285 = vector.shape_cast %mul3A_278 : vector<16xf32> to vector<1x16xf32>
        tpu.vector_store %arg7[%swap3A_281, %swap3A_282], %swap3A_285 {strides = array<i32>} : memref<512x64xf32, #tpu.memory_space<vmem>>, vector<1x16xf32>,
        %add3A_286 = arith.constant 3 : i32
        %add3A_287 = arith.addi %add3A_63, %add3A_286 : i32
        %get3A_288 = arith.index_cast %add3A_287 : i32 to index
        %get3A_289 = arith.constant 32 : index
        %get3A_290 = tpu.vector_load %arg7[%get3A_288, %get3A_289] {strides = array<i32>} : memref<512x64xf32, #tpu.memory_space<vmem>>, vector<1x16xf32>,
        %get3A_291 = vector.shape_cast %get3A_290 : vector<1x16xf32> to vector<16xf32>
        %mul3A_292 = arith.constant 8.000000e+00 : f32
        %mul3A_293 = vector.broadcast %mul3A_292 : f32 to vector<16xf32>
        %mul3A_294 = arith.mulf %get3A_291, %mul3A_293 : vector<16xf32>
        %add3A_295 = arith.constant 3 : i32
        %add3A_296 = arith.addi %add3A_63, %add3A_295 : i32
        %swap3A_297 = arith.index_cast %add3A_296 : i32 to index
        %swap3A_298 = arith.constant 32 : index
        %swap3A_299 = tpu.vector_load %arg7[%swap3A_297, %swap3A_298] {strides = array<i32>} : memref<512x64xf32, #tpu.memory_space<vmem>>, vector<1x16xf32>,
        %swap3A_300 = vector.shape_cast %swap3A_299 : vector<1x16xf32> to vector<16xf32>
        %swap3A_301 = vector.shape_cast %mul3A_294 : vector<16xf32> to vector<1x16xf32>
        tpu.vector_store %arg7[%swap3A_297, %swap3A_298], %swap3A_301 {strides = array<i32>} : memref<512x64xf32, #tpu.memory_space<vmem>>, vector<1x16xf32>,
        %add3A_302 = arith.constant 3 : i32
        %add3A_303 = arith.addi %add3A_63, %add3A_302 : i32
        %get3A_304 = arith.index_cast %add3A_303 : i32 to index
        %get3A_305 = arith.constant 48 : index
        %get3A_306 = tpu.vector_load %arg7[%get3A_304, %get3A_305] {strides = array<i32>} : memref<512x64xf32, #tpu.memory_space<vmem>>, vector<1x16xf32>,
        %get3A_307 = vector.shape_cast %get3A_306 : vector<1x16xf32> to vector<16xf32>
        %mul3A_308 = arith.constant 8.000000e+00 : f32
        %mul3A_309 = vector.broadcast %mul3A_308 : f32 to vector<16xf32>
        %mul3A_310 = arith.mulf %get3A_307, %mul3A_309 : vector<16xf32>
        %add3A_311 = arith.constant 3 : i32
        %add3A_312 = arith.addi %add3A_63, %add3A_311 : i32
        %swap3A_313 = arith.index_cast %add3A_312 : i32 to index
        %swap3A_314 = arith.constant 48 : index
        %swap3A_315 = tpu.vector_load %arg7[%swap3A_313, %swap3A_314] {strides = array<i32>} : memref<512x64xf32, #tpu.memory_space<vmem>>, vector<1x16xf32>,
        %swap3A_316 = vector.shape_cast %swap3A_315 : vector<1x16xf32> to vector<16xf32>
        %swap3A_317 = vector.shape_cast %mul3A_310 : vector<16xf32> to vector<1x16xf32>
        tpu.vector_store %arg7[%swap3A_313, %swap3A_314], %swap3A_317 {strides = array<i32>} : memref<512x64xf32, #tpu.memory_space<vmem>>, vector<1x16xf32>,
        %add3A_318 = arith.constant 4 : i32
        %add3A_319 = arith.addi %add3A_63, %add3A_318 : i32
        %get3A_320 = arith.index_cast %add3A_319 : i32 to index
        %get3A_321 = arith.constant 0 : index
        %get3A_322 = tpu.vector_load %arg7[%get3A_320, %get3A_321] {strides = array<i32>} : memref<512x64xf32, #tpu.memory_space<vmem>>, vector<1x16xf32>,
        %get3A_323 = vector.shape_cast %get3A_322 : vector<1x16xf32> to vector<16xf32>
        %mul3A_324 = arith.constant 8.000000e+00 : f32
        %mul3A_325 = vector.broadcast %mul3A_324 : f32 to vector<16xf32>
        %mul3A_326 = arith.mulf %get3A_323, %mul3A_325 : vector<16xf32>
        %add3A_327 = arith.constant 4 : i32
        %add3A_328 = arith.addi %add3A_63, %add3A_327 : i32
        %swap3A_329 = arith.index_cast %add3A_328 : i32 to index
        %swap3A_330 = arith.constant 0 : index
        %swap3A_331 = tpu.vector_load %arg7[%swap3A_329, %swap3A_330] {strides = array<i32>} : memref<512x64xf32, #tpu.memory_space<vmem>>, vector<1x16xf32>,
        %swap3A_332 = vector.shape_cast %swap3A_331 : vector<1x16xf32> to vector<16xf32>
        %swap3A_333 = vector.shape_cast %mul3A_326 : vector<16xf32> to vector<1x16xf32>
        tpu.vector_store %arg7[%swap3A_329, %swap3A_330], %swap3A_333 {strides = array<i32>} : memref<512x64xf32, #tpu.memory_space<vmem>>, vector<1x16xf32>,
        %add3A_334 = arith.constant 4 : i32
        %add3A_335 = arith.addi %add3A_63, %add3A_334 : i32
        %get3A_336 = arith.index_cast %add3A_335 : i32 to index
        %get3A_337 = arith.constant 16 : index
        %get3A_338 = tpu.vector_load %arg7[%get3A_336, %get3A_337] {strides = array<i32>} : memref<512x64xf32, #tpu.memory_space<vmem>>, vector<1x16xf32>,
        %get3A_339 = vector.shape_cast %get3A_338 : vector<1x16xf32> to vector<16xf32>
        %mul3A_340 = arith.constant 8.000000e+00 : f32
        %mul3A_341 = vector.broadcast %mul3A_340 : f32 to vector<16xf32>
        %mul3A_342 = arith.mulf %get3A_339, %mul3A_341 : vector<16xf32>
        %add3A_343 = arith.constant 4 : i32
        %add3A_344 = arith.addi %add3A_63, %add3A_343 : i32
        %swap3A_345 = arith.index_cast %add3A_344 : i32 to index
        %swap3A_346 = arith.constant 16 : index
        %swap3A_347 = tpu.vector_load %arg7[%swap3A_345, %swap3A_346] {strides = array<i32>} : memref<512x64xf32, #tpu.memory_space<vmem>>, vector<1x16xf32>,
        %swap3A_348 = vector.shape_cast %swap3A_347 : vector<1x16xf32> to vector<16xf32>
        %swap3A_349 = vector.shape_cast %mul3A_342 : vector<16xf32> to vector<1x16xf32>
        tpu.vector_store %arg7[%swap3A_345, %swap3A_346], %swap3A_349 {strides = array<i32>} : memref<512x64xf32, #tpu.memory_space<vmem>>, vector<1x16xf32>,
        %add3A_350 = arith.constant 4 : i32
        %add3A_351 = arith.addi %add3A_63, %add3A_350 : i32
        %get3A_352 = arith.index_cast %add3A_351 : i32 to index
        %get3A_353 = arith.constant 32 : index
        %get3A_354 = tpu.vector_load %arg7[%get3A_352, %get3A_353] {strides = array<i32>} : memref<512x64xf32, #tpu.memory_space<vmem>>, vector<1x16xf32>,
        %get3A_355 = vector.shape_cast %get3A_354 : vector<1x16xf32> to vector<16xf32>
        %mul3A_356 = arith.constant 8.000000e+00 : f32
        %mul3A_357 = vector.broadcast %mul3A_356 : f32 to vector<16xf32>
        %mul3A_358 = arith.mulf %get3A_355, %mul3A_357 : vector<16xf32>
        %add3A_359 = arith.constant 4 : i32
        %add3A_360 = arith.addi %add3A_63, %add3A_359 : i32
        %swap3A_361 = arith.index_cast %add3A_360 : i32 to index
        %swap3A_362 = arith.constant 32 : index
        %swap3A_363 = tpu.vector_load %arg7[%swap3A_361, %swap3A_362] {strides = array<i32>} : memref<512x64xf32, #tpu.memory_space<vmem>>, vector<1x16xf32>,
        %swap3A_364 = vector.shape_cast %swap3A_363 : vector<1x16xf32> to vector<16xf32>
        %swap3A_365 = vector.shape_cast %mul3A_358 : vector<16xf32> to vector<1x16xf32>
        tpu.vector_store %arg7[%swap3A_361, %swap3A_362], %swap3A_365 {strides = array<i32>} : memref<512x64xf32, #tpu.memory_space<vmem>>, vector<1x16xf32>,
        %add3A_366 = arith.constant 4 : i32
        %add3A_367 = arith.addi %add3A_63, %add3A_366 : i32
        %get3A_368 = arith.index_cast %add3A_367 : i32 to index
        %get3A_369 = arith.constant 48 : index
        %get3A_370 = tpu.vector_load %arg7[%get3A_368, %get3A_369] {strides = array<i32>} : memref<512x64xf32, #tpu.memory_space<vmem>>, vector<1x16xf32>,
        %get3A_371 = vector.shape_cast %get3A_370 : vector<1x16xf32> to vector<16xf32>
        %mul3A_372 = arith.constant 8.000000e+00 : f32
        %mul3A_373 = vector.broadcast %mul3A_372 : f32 to vector<16xf32>
        %mul3A_374 = arith.mulf %get3A_371, %mul3A_373 : vector<16xf32>
        %add3A_375 = arith.constant 4 : i32
        %add3A_376 = arith.addi %add3A_63, %add3A_375 : i32
        %swap3A_377 = arith.index_cast %add3A_376 : i32 to index
        %swap3A_378 = arith.constant 48 : index
        %swap3A_379 = tpu.vector_load %arg7[%swap3A_377, %swap3A_378] {strides = array<i32>} : memref<512x64xf32, #tpu.memory_space<vmem>>, vector<1x16xf32>,
        %swap3A_380 = vector.shape_cast %swap3A_379 : vector<1x16xf32> to vector<16xf32>
        %swap3A_381 = vector.shape_cast %mul3A_374 : vector<16xf32> to vector<1x16xf32>
        tpu.vector_store %arg7[%swap3A_377, %swap3A_378], %swap3A_381 {strides = array<i32>} : memref<512x64xf32, #tpu.memory_space<vmem>>, vector<1x16xf32>,
        %add3A_382 = arith.constant 5 : i32
        %add3A_383 = arith.addi %add3A_63, %add3A_382 : i32
        %get3A_384 = arith.index_cast %add3A_383 : i32 to index
        %get3A_385 = arith.constant 0 : index
        %get3A_386 = tpu.vector_load %arg7[%get3A_384, %get3A_385] {strides = array<i32>} : memref<512x64xf32, #tpu.memory_space<vmem>>, vector<1x16xf32>,
        %get3A_387 = vector.shape_cast %get3A_386 : vector<1x16xf32> to vector<16xf32>
        %mul3A_388 = arith.constant 8.000000e+00 : f32
        %mul3A_389 = vector.broadcast %mul3A_388 : f32 to vector<16xf32>
        %mul3A_390 = arith.mulf %get3A_387, %mul3A_389 : vector<16xf32>
        %add3A_391 = arith.constant 5 : i32
        %add3A_392 = arith.addi %add3A_63, %add3A_391 : i32
        %swap3A_393 = arith.index_cast %add3A_392 : i32 to index
        %swap3A_394 = arith.constant 0 : index
        %swap3A_395 = tpu.vector_load %arg7[%swap3A_393, %swap3A_394] {strides = array<i32>} : memref<512x64xf32, #tpu.memory_space<vmem>>, vector<1x16xf32>,
        %swap3A_396 = vector.shape_cast %swap3A_395 : vector<1x16xf32> to vector<16xf32>
        %swap3A_397 = vector.shape_cast %mul3A_390 : vector<16xf32> to vector<1x16xf32>
        tpu.vector_store %arg7[%swap3A_393, %swap3A_394], %swap3A_397 {strides = array<i32>} : memref<512x64xf32, #tpu.memory_space<vmem>>, vector<1x16xf32>,
        %add3A_398 = arith.constant 5 : i32
        %add3A_399 = arith.addi %add3A_63, %add3A_398 : i32
        %get3A_400 = arith.index_cast %add3A_399 : i32 to index
        %get3A_401 = arith.constant 16 : index
        %get3A_402 = tpu.vector_load %arg7[%get3A_400, %get3A_401] {strides = array<i32>} : memref<512x64xf32, #tpu.memory_space<vmem>>, vector<1x16xf32>,
        %get3A_403 = vector.shape_cast %get3A_402 : vector<1x16xf32> to vector<16xf32>
        %mul3A_404 = arith.constant 8.000000e+00 : f32
        %mul3A_405 = vector.broadcast %mul3A_404 : f32 to vector<16xf32>
        %mul3A_406 = arith.mulf %get3A_403, %mul3A_405 : vector<16xf32>
        %add3A_407 = arith.constant 5 : i32
        %add3A_408 = arith.addi %add3A_63, %add3A_407 : i32
        %swap3A_409 = arith.index_cast %add3A_408 : i32 to index
        %swap3A_410 = arith.constant 16 : index
        %swap3A_411 = tpu.vector_load %arg7[%swap3A_409, %swap3A_410] {strides = array<i32>} : memref<512x64xf32, #tpu.memory_space<vmem>>, vector<1x16xf32>,
        %swap3A_412 = vector.shape_cast %swap3A_411 : vector<1x16xf32> to vector<16xf32>
        %swap3A_413 = vector.shape_cast %mul3A_406 : vector<16xf32> to vector<1x16xf32>
        tpu.vector_store %arg7[%swap3A_409, %swap3A_410], %swap3A_413 {strides = array<i32>} : memref<512x64xf32, #tpu.memory_space<vmem>>, vector<1x16xf32>,
        %add3A_414 = arith.constant 5 : i32
        %add3A_415 = arith.addi %add3A_63, %add3A_414 : i32
        %get3A_416 = arith.index_cast %add3A_415 : i32 to index
        %get3A_417 = arith.constant 32 : index
        %get3A_418 = tpu.vector_load %arg7[%get3A_416, %get3A_417] {strides = array<i32>} : memref<512x64xf32, #tpu.memory_space<vmem>>, vector<1x16xf32>,
        %get3A_419 = vector.shape_cast %get3A_418 : vector<1x16xf32> to vector<16xf32>
        %mul3A_420 = arith.constant 8.000000e+00 : f32
        %mul3A_421 = vector.broadcast %mul3A_420 : f32 to vector<16xf32>
        %mul3A_422 = arith.mulf %get3A_419, %mul3A_421 : vector<16xf32>
        %add3A_423 = arith.constant 5 : i32
        %add3A_424 = arith.addi %add3A_63, %add3A_423 : i32
        %swap3A_425 = arith.index_cast %add3A_424 : i32 to index
        %swap3A_426 = arith.constant 32 : index
        %swap3A_427 = tpu.vector_load %arg7[%swap3A_425, %swap3A_426] {strides = array<i32>} : memref<512x64xf32, #tpu.memory_space<vmem>>, vector<1x16xf32>,
        %swap3A_428 = vector.shape_cast %swap3A_427 : vector<1x16xf32> to vector<16xf32>
        %swap3A_429 = vector.shape_cast %mul3A_422 : vector<16xf32> to vector<1x16xf32>
        tpu.vector_store %arg7[%swap3A_425, %swap3A_426], %swap3A_429 {strides = array<i32>} : memref<512x64xf32, #tpu.memory_space<vmem>>, vector<1x16xf32>,
        %add3A_430 = arith.constant 5 : i32
        %add3A_431 = arith.addi %add3A_63, %add3A_430 : i32
        %get3A_432 = arith.index_cast %add3A_431 : i32 to index
        %get3A_433 = arith.constant 48 : index
        %get3A_434 = tpu.vector_load %arg7[%get3A_432, %get3A_433] {strides = array<i32>} : memref<512x64xf32, #tpu.memory_space<vmem>>, vector<1x16xf32>,
        %get3A_435 = vector.shape_cast %get3A_434 : vector<1x16xf32> to vector<16xf32>
        %mul3A_436 = arith.constant 8.000000e+00 : f32
        %mul3A_437 = vector.broadcast %mul3A_436 : f32 to vector<16xf32>
        %mul3A_438 = arith.mulf %get3A_435, %mul3A_437 : vector<16xf32>
        %add3A_439 = arith.constant 5 : i32
        %add3A_440 = arith.addi %add3A_63, %add3A_439 : i32
        %swap3A_441 = arith.index_cast %add3A_440 : i32 to index
        %swap3A_442 = arith.constant 48 : index
        %swap3A_443 = tpu.vector_load %arg7[%swap3A_441, %swap3A_442] {strides = array<i32>} : memref<512x64xf32, #tpu.memory_space<vmem>>, vector<1x16xf32>,
        %swap3A_444 = vector.shape_cast %swap3A_443 : vector<1x16xf32> to vector<16xf32>
        %swap3A_445 = vector.shape_cast %mul3A_438 : vector<16xf32> to vector<1x16xf32>
        tpu.vector_store %arg7[%swap3A_441, %swap3A_442], %swap3A_445 {strides = array<i32>} : memref<512x64xf32, #tpu.memory_space<vmem>>, vector<1x16xf32>,
        %add3A_446 = arith.constant 6 : i32
        %add3A_447 = arith.addi %add3A_63, %add3A_446 : i32
        %get3A_448 = arith.index_cast %add3A_447 : i32 to index
        %get3A_449 = arith.constant 0 : index
        %get3A_450 = tpu.vector_load %arg7[%get3A_448, %get3A_449] {strides = array<i32>} : memref<512x64xf32, #tpu.memory_space<vmem>>, vector<1x16xf32>,
        %get3A_451 = vector.shape_cast %get3A_450 : vector<1x16xf32> to vector<16xf32>
        %mul3A_452 = arith.constant 8.000000e+00 : f32
        %mul3A_453 = vector.broadcast %mul3A_452 : f32 to vector<16xf32>
        %mul3A_454 = arith.mulf %get3A_451, %mul3A_453 : vector<16xf32>
        %add3A_455 = arith.constant 6 : i32
        %add3A_456 = arith.addi %add3A_63, %add3A_455 : i32
        %swap3A_457 = arith.index_cast %add3A_456 : i32 to index
        %swap3A_458 = arith.constant 0 : index
        %swap3A_459 = tpu.vector_load %arg7[%swap3A_457, %swap3A_458] {strides = array<i32>} : memref<512x64xf32, #tpu.memory_space<vmem>>, vector<1x16xf32>,
        %swap3A_460 = vector.shape_cast %swap3A_459 : vector<1x16xf32> to vector<16xf32>
        %swap3A_461 = vector.shape_cast %mul3A_454 : vector<16xf32> to vector<1x16xf32>
        tpu.vector_store %arg7[%swap3A_457, %swap3A_458], %swap3A_461 {strides = array<i32>} : memref<512x64xf32, #tpu.memory_space<vmem>>, vector<1x16xf32>,
        %add3A_462 = arith.constant 6 : i32
        %add3A_463 = arith.addi %add3A_63, %add3A_462 : i32
        %get3A_464 = arith.index_cast %add3A_463 : i32 to index
        %get3A_465 = arith.constant 16 : index
        %get3A_466 = tpu.vector_load %arg7[%get3A_464, %get3A_465] {strides = array<i32>} : memref<512x64xf32, #tpu.memory_space<vmem>>, vector<1x16xf32>,
        %get3A_467 = vector.shape_cast %get3A_466 : vector<1x16xf32> to vector<16xf32>
        %mul3A_468 = arith.constant 8.000000e+00 : f32
        %mul3A_469 = vector.broadcast %mul3A_468 : f32 to vector<16xf32>
        %mul3A_470 = arith.mulf %get3A_467, %mul3A_469 : vector<16xf32>
        %add3A_471 = arith.constant 6 : i32
        %add3A_472 = arith.addi %add3A_63, %add3A_471 : i32
        %swap3A_473 = arith.index_cast %add3A_472 : i32 to index
        %swap3A_474 = arith.constant 16 : index
        %swap3A_475 = tpu.vector_load %arg7[%swap3A_473, %swap3A_474] {strides = array<i32>} : memref<512x64xf32, #tpu.memory_space<vmem>>, vector<1x16xf32>,
        %swap3A_476 = vector.shape_cast %swap3A_475 : vector<1x16xf32> to vector<16xf32>
        %swap3A_477 = vector.shape_cast %mul3A_470 : vector<16xf32> to vector<1x16xf32>
        tpu.vector_store %arg7[%swap3A_473, %swap3A_474], %swap3A_477 {strides = array<i32>} : memref<512x64xf32, #tpu.memory_space<vmem>>, vector<1x16xf32>,
        %add3A_478 = arith.constant 6 : i32
        %add3A_479 = arith.addi %add3A_63, %add3A_478 : i32
        %get3A_480 = arith.index_cast %add3A_479 : i32 to index
        %get3A_481 = arith.constant 32 : index
        %get3A_482 = tpu.vector_load %arg7[%get3A_480, %get3A_481] {strides = array<i32>} : memref<512x64xf32, #tpu.memory_space<vmem>>, vector<1x16xf32>,
        %get3A_483 = vector.shape_cast %get3A_482 : vector<1x16xf32> to vector<16xf32>
        %mul3A_484 = arith.constant 8.000000e+00 : f32
        %mul3A_485 = vector.broadcast %mul3A_484 : f32 to vector<16xf32>
        %mul3A_486 = arith.mulf %get3A_483, %mul3A_485 : vector<16xf32>
        %add3A_487 = arith.constant 6 : i32
        %add3A_488 = arith.addi %add3A_63, %add3A_487 : i32
        %swap3A_489 = arith.index_cast %add3A_488 : i32 to index
        %swap3A_490 = arith.constant 32 : index
        %swap3A_491 = tpu.vector_load %arg7[%swap3A_489, %swap3A_490] {strides = array<i32>} : memref<512x64xf32, #tpu.memory_space<vmem>>, vector<1x16xf32>,
        %swap3A_492 = vector.shape_cast %swap3A_491 : vector<1x16xf32> to vector<16xf32>
        %swap3A_493 = vector.shape_cast %mul3A_486 : vector<16xf32> to vector<1x16xf32>
        tpu.vector_store %arg7[%swap3A_489, %swap3A_490], %swap3A_493 {strides = array<i32>} : memref<512x64xf32, #tpu.memory_space<vmem>>, vector<1x16xf32>,
        %add3A_494 = arith.constant 6 : i32
        %add3A_495 = arith.addi %add3A_63, %add3A_494 : i32
        %get3A_496 = arith.index_cast %add3A_495 : i32 to index
        %get3A_497 = arith.constant 48 : index
        %get3A_498 = tpu.vector_load %arg7[%get3A_496, %get3A_497] {strides = array<i32>} : memref<512x64xf32, #tpu.memory_space<vmem>>, vector<1x16xf32>,
        %get3A_499 = vector.shape_cast %get3A_498 : vector<1x16xf32> to vector<16xf32>
        %mul3A_500 = arith.constant 8.000000e+00 : f32
        %mul3A_501 = vector.broadcast %mul3A_500 : f32 to vector<16xf32>
        %mul3A_502 = arith.mulf %get3A_499, %mul3A_501 : vector<16xf32>
        %add3A_503 = arith.constant 6 : i32
        %add3A_504 = arith.addi %add3A_63, %add3A_503 : i32
        %swap3A_505 = arith.index_cast %add3A_504 : i32 to index
        %swap3A_506 = arith.constant 48 : index
        %swap3A_507 = tpu.vector_load %arg7[%swap3A_505, %swap3A_506] {strides = array<i32>} : memref<512x64xf32, #tpu.memory_space<vmem>>, vector<1x16xf32>,
        %swap3A_508 = vector.shape_cast %swap3A_507 : vector<1x16xf32> to vector<16xf32>
        %swap3A_509 = vector.shape_cast %mul3A_502 : vector<16xf32> to vector<1x16xf32>
        tpu.vector_store %arg7[%swap3A_505, %swap3A_506], %swap3A_509 {strides = array<i32>} : memref<512x64xf32, #tpu.memory_space<vmem>>, vector<1x16xf32>,
        %add3A_510 = arith.constant 7 : i32
        %add3A_511 = arith.addi %add3A_63, %add3A_510 : i32
        %get3A_512 = arith.index_cast %add3A_511 : i32 to index
        %get3A_513 = arith.constant 0 : index
        %get3A_514 = tpu.vector_load %arg7[%get3A_512, %get3A_513] {strides = array<i32>} : memref<512x64xf32, #tpu.memory_space<vmem>>, vector<1x16xf32>,
        %get3A_515 = vector.shape_cast %get3A_514 : vector<1x16xf32> to vector<16xf32>
        %mul3A_516 = arith.constant 8.000000e+00 : f32
        %mul3A_517 = vector.broadcast %mul3A_516 : f32 to vector<16xf32>
        %mul3A_518 = arith.mulf %get3A_515, %mul3A_517 : vector<16xf32>
        %add3A_519 = arith.constant 7 : i32
        %add3A_520 = arith.addi %add3A_63, %add3A_519 : i32
        %swap3A_521 = arith.index_cast %add3A_520 : i32 to index
        %swap3A_522 = arith.constant 0 : index
        %swap3A_523 = tpu.vector_load %arg7[%swap3A_521, %swap3A_522] {strides = array<i32>} : memref<512x64xf32, #tpu.memory_space<vmem>>, vector<1x16xf32>,
        %swap3A_524 = vector.shape_cast %swap3A_523 : vector<1x16xf32> to vector<16xf32>
        %swap3A_525 = vector.shape_cast %mul3A_518 : vector<16xf32> to vector<1x16xf32>
        tpu.vector_store %arg7[%swap3A_521, %swap3A_522], %swap3A_525 {strides = array<i32>} : memref<512x64xf32, #tpu.memory_space<vmem>>, vector<1x16xf32>,
        %add3A_526 = arith.constant 7 : i32
        %add3A_527 = arith.addi %add3A_63, %add3A_526 : i32
        %get3A_528 = arith.index_cast %add3A_527 : i32 to index
        %get3A_529 = arith.constant 16 : index
        %get3A_530 = tpu.vector_load %arg7[%get3A_528, %get3A_529] {strides = array<i32>} : memref<512x64xf32, #tpu.memory_space<vmem>>, vector<1x16xf32>,
        %get3A_531 = vector.shape_cast %get3A_530 : vector<1x16xf32> to vector<16xf32>
        %mul3A_532 = arith.constant 8.000000e+00 : f32
        %mul3A_533 = vector.broadcast %mul3A_532 : f32 to vector<16xf32>
        %mul3A_534 = arith.mulf %get3A_531, %mul3A_533 : vector<16xf32>
        %add3A_535 = arith.constant 7 : i32
        %add3A_536 = arith.addi %add3A_63, %add3A_535 : i32
        %swap3A_537 = arith.index_cast %add3A_536 : i32 to index
        %swap3A_538 = arith.constant 16 : index
        %swap3A_539 = tpu.vector_load %arg7[%swap3A_537, %swap3A_538] {strides = array<i32>} : memref<512x64xf32, #tpu.memory_space<vmem>>, vector<1x16xf32>,
        %swap3A_540 = vector.shape_cast %swap3A_539 : vector<1x16xf32> to vector<16xf32>
        %swap3A_541 = vector.shape_cast %mul3A_534 : vector<16xf32> to vector<1x16xf32>
        tpu.vector_store %arg7[%swap3A_537, %swap3A_538], %swap3A_541 {strides = array<i32>} : memref<512x64xf32, #tpu.memory_space<vmem>>, vector<1x16xf32>,
        %add3A_542 = arith.constant 7 : i32
        %add3A_543 = arith.addi %add3A_63, %add3A_542 : i32
        %get3A_544 = arith.index_cast %add3A_543 : i32 to index
        %get3A_545 = arith.constant 32 : index
        %get3A_546 = tpu.vector_load %arg7[%get3A_544, %get3A_545] {strides = array<i32>} : memref<512x64xf32, #tpu.memory_space<vmem>>, vector<1x16xf32>,
        %get3A_547 = vector.shape_cast %get3A_546 : vector<1x16xf32> to vector<16xf32>
        %mul3A_548 = arith.constant 8.000000e+00 : f32
        %mul3A_549 = vector.broadcast %mul3A_548 : f32 to vector<16xf32>
        %mul3A_550 = arith.mulf %get3A_547, %mul3A_549 : vector<16xf32>
        %add3A_551 = arith.constant 7 : i32
        %add3A_552 = arith.addi %add3A_63, %add3A_551 : i32
        %swap3A_553 = arith.index_cast %add3A_552 : i32 to index
        %swap3A_554 = arith.constant 32 : index
        %swap3A_555 = tpu.vector_load %arg7[%swap3A_553, %swap3A_554] {strides = array<i32>} : memref<512x64xf32, #tpu.memory_space<vmem>>, vector<1x16xf32>,
        %swap3A_556 = vector.shape_cast %swap3A_555 : vector<1x16xf32> to vector<16xf32>
        %swap3A_557 = vector.shape_cast %mul3A_550 : vector<16xf32> to vector<1x16xf32>
        tpu.vector_store %arg7[%swap3A_553, %swap3A_554], %swap3A_557 {strides = array<i32>} : memref<512x64xf32, #tpu.memory_space<vmem>>, vector<1x16xf32>,
        %add3A_558 = arith.constant 7 : i32
        %add3A_559 = arith.addi %add3A_63, %add3A_558 : i32
        %get3A_560 = arith.index_cast %add3A_559 : i32 to index
        %get3A_561 = arith.constant 48 : index
        %get3A_562 = tpu.vector_load %arg7[%get3A_560, %get3A_561] {strides = array<i32>} : memref<512x64xf32, #tpu.memory_space<vmem>>, vector<1x16xf32>,
        %get3A_563 = vector.shape_cast %get3A_562 : vector<1x16xf32> to vector<16xf32>
        %mul3A_564 = arith.constant 8.000000e+00 : f32
        %mul3A_565 = vector.broadcast %mul3A_564 : f32 to vector<16xf32>
        %mul3A_566 = arith.mulf %get3A_563, %mul3A_565 : vector<16xf32>
        %add3A_567 = arith.constant 7 : i32
        %add3A_568 = arith.addi %add3A_63, %add3A_567 : i32
        %swap3A_569 = arith.index_cast %add3A_568 : i32 to index
        %swap3A_570 = arith.constant 48 : index
        %swap3A_571 = tpu.vector_load %arg7[%swap3A_569, %swap3A_570] {strides = array<i32>} : memref<512x64xf32, #tpu.memory_space<vmem>>, vector<1x16xf32>,
        %swap3A_572 = vector.shape_cast %swap3A_571 : vector<1x16xf32> to vector<16xf32>
        %swap3A_573 = vector.shape_cast %mul3A_566 : vector<16xf32> to vector<1x16xf32>
        tpu.vector_store %arg7[%swap3A_569, %swap3A_570], %swap3A_573 {strides = array<i32>} : memref<512x64xf32, #tpu.memory_space<vmem>>, vector<1x16xf32>,
      }
      %scan3A_50 = arith.constant 64 : i32
      %mul3A_51 = arith.constant 512 : i32
      %mul3A_52 = arith.muli %add3A_39, %mul3A_51 : i32
      %add3A_53 = arith.addi %mul3A_2, %mul3A_52 : i32
      "tpu.region"() ({
        %run_scoped3A = tpu.sem_alloc : memref<!tpu.dma_semaphore, #tpu.memory_space<semaphore_mem>>
        %dma_start3A_59 = arith.constant 0 : i32
        %dma_start3A_60 = tpu.memref_slice %arg4[%add3A_53, %dma_start3A_59] : memref<819200x64xf32, #tpu.memory_space<hbm>> -> memref<512x64xf32, #tpu.memory_space<hbm>>
        %dma_start3A_61 = arith.constant 0 : i32
        %dma_start3A_62 = tpu.memref_slice %arg4[%add3A_53, %dma_start3A_61] : memref<819200x64xf32, #tpu.memory_space<hbm>> -> memref<512x64xf32, #tpu.memory_space<hbm>>
        tpu.enqueue_dma source(%arg7 : memref<512x64xf32, #tpu.memory_space<vmem>>) target(%dma_start3A_62 : memref<512x64xf32, #tpu.memory_space<hbm>>) target_semaphore(%run_scoped3A : memref<!tpu.dma_semaphore, #tpu.memory_space<semaphore_mem>>)
        %dma_wait3A_63 = arith.constant 0 : i32
        %dma_wait3A_64 = tpu.memref_slice %arg4[%add3A_53, %dma_wait3A_63] : memref<819200x64xf32, #tpu.memory_space<hbm>> -> memref<512x64xf32, #tpu.memory_space<hbm>>
        %dma_wait3A_65 = arith.constant 0 : i32
        %dma_wait3A_66 = tpu.memref_slice %arg4[%add3A_53, %dma_wait3A_65] : memref<819200x64xf32, #tpu.memory_space<hbm>> -> memref<512x64xf32, #tpu.memory_space<hbm>>
        tpu.wait_dma2 semaphore(%run_scoped3A : memref<!tpu.dma_semaphore, #tpu.memory_space<semaphore_mem>>) src(%arg7 : memref<512x64xf32, #tpu.memory_space<vmem>>) dst(%dma_wait3A_66 : memref<512x64xf32, #tpu.memory_space<hbm>>)
        tpu.yield
      }) : () -> ()
      %lt3A_54 = arith.constant 48 : i32
      %lt3A_55 = arith.cmpi slt, %add3A_39, %lt3A_54 : i32
      %convert_element_type3A_56 = arith.extui %lt3A_55 : i1 to i32
      %cond3A_57 = arith.constant 0 : i32
      %cond3A_58 = arith.cmpi ne, %convert_element_type3A_56, %cond3A_57 : i32
      scf.if %cond3A_58 {
        %add3A_59 = arith.constant 2 : i32
        %add3A_60 = arith.addi %add3A_39, %add3A_59 : i32
        %mul3A_61 = arith.constant 512 : i32
        %mul3A_62 = arith.muli %add3A_60, %mul3A_61 : i32
        %dma_start3A_63 = tpu.memref_slice %arg5[%mul3A_62] : memref<25600xi32, #tpu.memory_space<vmem>> -> memref<512xi32, #tpu.memory_space<vmem>>
        %dma_start3A_64 = arith.constant 0 : i32
        %dma_start3A_65 = arith.constant 0 : i32
        %dma_start3A_66 = tpu.memref_slice %arg3[%dma_start3A_64, %dma_start3A_65] : memref<1000000x64xf32, #tpu.memory_space<hbm>> -> memref<1000000x64xf32, #tpu.memory_space<hbm>>
        tpu.enqueue_indirect_dma source(%dma_start3A_66 : memref<1000000x64xf32, #tpu.memory_space<hbm>>) target(%arg7 : memref<512x64xf32, #tpu.memory_space<vmem>>) offsets(%dma_start3A_63 : memref<512xi32, #tpu.memory_space<vmem>>) semaphore(%arg9 : memref<!tpu.dma_semaphore, #tpu.memory_space<semaphore_mem>>)
      } else {
      }
    }
    %scan3A_15 = arith.constant 25 : i32
    return
  }
}

</mosaic_0001>

<sc_bundles>
// kernel: kernel.3.cloned.1.call-start
scs
__scs_entry_jumppad:
0x0: {  	(pc) =	sbr.rel $0x88, $3  }
0x1: {  	(tag) =	ssettag $0x0;
	lr =	simm.s32 $0x1  }
0x2: {  	[smem:$0x3F9F] =	sst lr;
	_ =	strace $0xD0000000  }
0x3: {  	_ = 	snop  }
0x4: {  	_ = 	snop  }
0x5: {  	_ = 	snop  }
0x6: {  	_ = 	snop  }
0x7: {  	_ = 	snop  }
__scs_overlays_trampoline_lowered:
0x8: {  	[smem:$0x3FAE] =	sst s0  }
0x9: {  	[smem:$0x3FAF] =	sst s1  }
0xa: {  	[smem:$0x3FB0] =	sst s2  }
0xb: {  	[smem:$0x3FB1] =	sst s3  }
0xc: {  	[smem:$0x3FB2] =	sst s4  }
0xd: {  	[smem:$0x3FB3] =	sst s5  }
0xe: {  	[smem:$0x3FB4] =	sst s6  }
0xf: {  	[smem:$0x3FB5] =	sst s7  }
0x10: {  	[smem:$0x3FB6] =	sst s8  }
0x11: {  	[smem:$0x3FB7] =	sst s9;
	s0 =	simm.s32 @!p0 $0x0  }
0x12: {  	s1 =	sld [smem:$0x3F9D];
	s0 =	simm.s32 @p0 $0x1  }
0x13: {  	[smem:$0x3FB8] =	sst s0;
	s0 =	simm.s32 @!p1 $0x0  }
0x14: {  	s2 =	sld [smem:$0x3F9C];
	s0 =	simm.s32 @p1 $0x1  }
0x15: {  	[smem:$0x3FB9] =	sst s0;
	s0 =	simm.s32 @!p2 $0x0  }
0x16: {  	s3 =	sld [smem:$0x3FDB];
	s0 =	simm.s32 @p2 $0x1  }
0x17: {  	s4 =	simm.s32 $0x1BF5;
	[smem:$0x3FBB] =	sst s0  }
0x18: {  	s0 =	sld [smem:$0x3F9E];
	_ =	swait.ge [sflag:s4], $0x0  }
0x19: {  	s7 =	sld [smem:$0x3F9F]  }
0x1a: {  	s8 =	sadd.s32 $0xFFFFE003, lr  }
0x1b: {  	s9 =	sadd.s32 $0xFFFFFEF7, lr;
	s5 =	simm.s32 $0xFFFFFFFF;
	p2 =	slt.u32 s8, $0xFFFFF086  }
0x1c: {  	p1 =	slt.u32 s9, $0xF7A;
	s5 =	simm.s32 @!p2 $0x0  }
0x1d: {  	s5 =	simm.s32 @p1 $0x1;
	p0 =	seq.s32 s7, s2  }
0x1e: {  	s7 =	smul.u32 @!p0 $0xF7A, s2;
	p2 =	seq.s32 @!p0 s5, $0x0  }
0x1f: {  	s9 =	smul.u32 $0xF7A, s1;
	s8 =	simm.s32 @!p0 $0x1BF5;
	p2 =	por !p2, p0  }
0x20: {  	[sflag:s8] =	ssyncset.s32 @!p0 $0xFFFFF086;
	s6 =	sadd.s32 @!p0 s3, s7;
	s7 =	simm.s32 @!p0 $0x108  }
0x21: {  	s3 =	sadd.s32 s3, s9;
	s6 =	sadd.s32 @!p0 $0x88, s6;
	s7 =	simm.s32 @p2 $0x1082  }
0x22: {  	[simem:s7], [sflag:s8] =	dma.local @!p0 [hbm:s6], $0xF7A  }
0x23: {  	s9 =	sor.u32 $0xD0000000, s2;
	s6 =	simm.s32 $0x108;
	_ =	swait.ge @!p0 [sflag:s8], $0x0  }
0x24: {  	s3 =	sadd.s32 $0x88, s3;
	s6 =	simm.s32 @!p1 $0x1082;
	[sflag:s4] =	ssyncset.s32 $0xFFFFF086  }
0x25: {  	[simem:s6], [sflag:s4] =	dma.local [hbm:s3], $0xF7A  }
0x26: {  	[smem:$0x3F9F] =	sst s1;
	(tag) =	ssettag s2;
	_ =	strace s9  }
0x27: {  	s1 =	sld [smem:$0x3FAF]  }
0x28: {  	s2 =	sld [smem:$0x3FB0]  }
0x29: {  	s4 =	sld [smem:$0x3FB2]  }
0x2a: {  	p0 =	seq.s32 s5, $0x0;
	s5 =	sld [smem:$0x3FB3]  }
0x2b: {  	s6 =	sld [smem:$0x3FB4]  }
0x2c: {  	s7 =	sld [smem:$0x3FB5]  }
0x2d: {  	s3 =	simm.s32 $0x108;
	s8 =	sld [smem:$0x3FB6]  }
0x2e: {  	s3 =	simm.s32 @!p0 $0x1082;
	s9 =	sld [smem:$0x3FB7]  }
0x2f: {  	lr =	sadd.s32 s0, s3;
	s0 =	sld [smem:$0x3FAE]  }
0x30: {  	s3 =	sld [smem:$0x3FB1]  }
0x31: {  	[smem:$0x3FBA] =	sst s10  }
0x32: {  	s10 =	sld [smem:$0x3FB8];
	_ =	sdelay $0x3  }
0x33: {  	p0 =	seq.s32 s10, $0x1;
	s10 =	sld [smem:$0x3FBA];
	_ =	sdelay $0x3  }
0x34: {  	[smem:$0x3FBA] =	sst s10  }
0x35: {  	s10 =	sld [smem:$0x3FB9];
	_ =	sdelay $0x3  }
0x36: {  	p1 =	seq.s32 s10, $0x1;
	s10 =	sld [smem:$0x3FBA];
	_ =	sdelay $0x3  }
0x37: {  	[smem:$0x3FBA] =	sst s10  }
0x38: {  	s10 =	sld [smem:$0x3FBB]  }
0x39: {  	_ = 	snop;
	(pc) =	sbr.ind lr, $3  }
0x3a: {  	_ = 	snop  }
0x3b: {  	_ = 	snop  }
0x3c: {  	p2 =	seq.s32 s10, $0x1;
	s10 =	sld [smem:$0x3FBA]  }
0x3d: {  	_ =	shalt  }
0x3e: {  	_ =	shalt  }
0x3f: {  	_ =	shalt  }
0x40: {  	_ =	shalt  }
0x41: {  	_ =	shalt  }
0x42: {  	_ =	shalt  }
0x43: {  	_ =	shalt  }
0x44: {  	_ =	shalt  }
0x45: {  	_ =	shalt  }
0x46: {  	_ =	shalt  }
0x47: {  	_ =	shalt  }
0x48: {  	_ =	shalt  }
0x49: {  	_ =	shalt  }
0x4a: {  	_ =	shalt  }
0x4b: {  	_ =	shalt  }
0x4c: {  	_ =	shalt  }
0x4d: {  	_ =	shalt  }
0x4e: {  	_ =	shalt  }
0x4f: {  	_ =	shalt  }
0x50: {  	_ =	shalt  }
0x51: {  	_ =	shalt  }
0x52: {  	_ =	shalt  }
0x53: {  	_ =	shalt  }
0x54: {  	_ =	shalt  }
0x55: {  	_ =	shalt  }
0x56: {  	_ =	shalt  }
0x57: {  	_ =	shalt  }
0x58: {  	_ =	shalt  }
0x59: {  	_ =	shalt  }
0x5a: {  	_ =	shalt  }
0x5b: {  	_ =	shalt  }
0x5c: {  	_ =	shalt  }
0x5d: {  	_ =	shalt  }
0x5e: {  	_ =	shalt  }
0x5f: {  	_ =	shalt  }
0x60: {  	_ =	shalt  }
0x61: {  	_ =	shalt  }
0x62: {  	_ =	shalt  }
0x63: {  	_ =	shalt  }
0x64: {  	_ =	shalt  }
0x65: {  	_ =	shalt  }
0x66: {  	_ =	shalt  }
0x67: {  	_ =	shalt  }
0x68: {  	_ =	shalt  }
0x69: {  	_ =	shalt  }
0x6a: {  	_ =	shalt  }
0x6b: {  	_ =	shalt  }
0x6c: {  	_ =	shalt  }
0x6d: {  	_ =	shalt  }
0x6e: {  	_ =	shalt  }
0x6f: {  	_ =	shalt  }
0x70: {  	_ =	shalt  }
0x71: {  	_ =	shalt  }
0x72: {  	_ =	shalt  }
0x73: {  	_ =	shalt  }
0x74: {  	_ =	shalt  }
0x75: {  	_ =	shalt  }
0x76: {  	_ =	shalt  }
0x77: {  	_ =	shalt  }
0x78: {  	_ =	shalt  }
0x79: {  	_ =	shalt  }
0x7a: {  	_ =	shalt  }
0x7b: {  	_ =	shalt  }
0x7c: {  	_ =	shalt  }
0x7d: {  	_ =	shalt  }
0x7e: {  	_ =	shalt  }
0x7f: {  	_ =	shalt  }
0x80: {  	_ =	shalt  }
0x81: {  	_ =	shalt  }
0x82: {  	_ =	shalt  }
0x83: {  	_ =	shalt  }
0x84: {  	_ =	shalt  }
0x85: {  	_ =	shalt  }
0x86: {  	_ =	shalt  }
0x87: {  	_ =	shalt  }
.Lfunc_end0:
.L_simem_size_0:
called_computation.1_lowered:
.L_overlay_start_0:
0x88: {  	s2 =	sld [smem:$0x3FD9]  }
0x89: {  	s3 =	sld [smem:$0x3FFE];
	_ =	sdelay $0x1  }
0x8a: {  	s1 =	srdreg.scid  }
0x8b: {  	s0 =	sand.u32 $0x1, s1  }
0x8c: {  	s17 =	sshll.u32 s0, $0xA;
	s2 =	sadd.s32 s3, s2  }
0x8d: {  	s2 =	sadd.s32 s2, s17  }
0x8e: {  	[smem:$0x3FC6] =	sst s2  }
0x8f: {  	_ = 	snop  }
0x90: {  	s2 =	sld [smem:$0x3FD0];
	(tm) =	ssettm $0x1  }
0x91: {  	s18 =	sld [smem:$0x3FFB];
	_ =	sdelay $0x3  }
0x92: {  	_ =	strace s18  }
0x93: {  	s3 =	sld [smem:$0x3FFC];
	_ =	sdelay $0x3  }
0x94: {  	_ =	strace s3  }
0x95: {  	s3 =	sld [smem:$0x3FFD];
	_ =	sdelay $0x3  }
0x96: {  	_ =	strace s3  }
0x97: {  	_ =	strace $0x8FFFFFFF  }
0x98: {  	s19 =	sld [smem:$0x3FDB];
	_ =	sdelay $0x1  }
0x99: {  	s4 =	simm.s32 $_scs_section_size  }
0x9a: {  	s5 =	simm.s32 $_size__tile_overlayer_lowered;
	s6 =	simm.s32 $_tile_overlayer_lowered  }
0x9b: {  	s22 =	simm.s32 $0x1BFF;
	s21 =	sshll.u32 s6, $0x1;
	s3 =	sadd.s32 s4, s19  }
0x9c: {  	s7 =	simm.s32 $0x0;
	s20 =	sshll.u32 s5, $0x1;
	s5 =	sadd.s32 s21, s3  }
0x9d: {  	[timem:s7], [sflag:s22] =	dma.local [hbm:s5], s20  }
0x9e: {  	_ =	swait.ge [sflag:s22], s20  }
0x9f: {  	s4 =	ssub.s32 $0x0, s20;
	[sflag:s22] =	ssyncset.done $0x0  }
0xa0: {  	[sflag:s22] =	ssyncadd.s32 s4;
	_ =	sdelay $0x1  }
0xa1: {  	s23 =	simm.s32 $0x1B8B  }
0xa2: {  	_ =	swait.ge [sflag:s23], $0x1  }
0xa3: {  	[sflag:s23] =	ssyncset.done $0x0  }
0xa4: {  	s25 =	simm.s32 $0x1B8E;
	s24 =	sld [smem:$0x3FFE];
	[sflag:s23] =	ssyncadd.s32 $0xFFFFFFFF  }
0xa5: {  	s26 =	simm.s32 $execute0_lowered;
	[smem:$0x3FD2] =	sst s25  }
0xa6: {  	s5 =	sshll.u32 s26, $0x1;
	_ =	strace $0x80000046;
	[dreg:$0x1] =	wrdreg $0xFFFFFFFF  }
0xa7: {  	s28 =	simm.s32 $_size_execute0_lowered;
	s3 =	sadd.s32 s3, s5;
	[dreg:$0x0] =	wrdreg $0x0  }
0xa8: {  	s5 =	sshll.u32 s28, $0x1;
	[dreg:$0x2] =	wrdreg s3  }
0xa9: {  	[dreg:$0x3] =	wrdreg s5  }
0xaa: {  	[dreg:$0x4] =	wrdreg $0xC0  }
0xab: {  	_ =	task [dreg:s7], $0x5FFFF  }
0xac: {  	[dreg:$0x1] =	wrdreg $0xFFFFFFFF  }
0xad: {  	[dreg:$0x0] =	wrdreg $0x60  }
0xae: {  	[dreg:$0x2] =	wrdreg s24  }
0xaf: {  	[dreg:$0x3] =	wrdreg s2  }
0xb0: {  	[dreg:$0x4] =	wrdreg $0x9  }
0xb1: {  	_ =	task.clear_ibuf [dreg:s7], $0x5FFFF;
	_ =	strace $0x90000046  }
0xb2: {  	s29 =	simm.s32 $0x9;
	_ =	strace $0x80000048  }
0xb3: {  	_ =	swait.ge [sflag:s29], $0x1  }
0xb4: {  	[sflag:s29] =	ssyncadd.s32 $0xFFFFFFFF  }
0xb5: {  	_ =	strace $0x90000048  }
0xb6: {  	_ =	sfence  }
0xb7: {  	s30 =	sld [smem:$0x0];
	_ =	sdelay $0x2  }
0xb8: {  	s31 =	sshll.u32 s1, $0xD;
	s1 =	sshrl.u32 s1, $0x2  }
0xb9: {  	s3 =	sand.u32 $0x4000, s31;
	s1 =	sadd.s32 s1, s30  }
0xba: {  	s0 =	sor.u32 s3, s0;
	s1 =	sshll.u32 s1, $0x11  }
0xbb: {  	s0 =	sor.u32 s1, s0  }
0xbc: {  	s0 =	sadd.s32 $0x8F2B, s0  }
0xbd: {  	[sflag:s0] =	ssyncadd.remote.s32 $0x1  }
0xbe: {  	_ =	sfence.sel $0xFFFF  }
0xbf: {  	[dreg:$0x0] =	wrdreg $0xFFFFFFFF;
	(pc) =	sbr.abs _section_cstart, $3  }
0xc0: {  	[dreg:$0x1] =	wrdreg $0xFFFFFFFF  }
0xc1: {  	_ =	task.clear_ibuf [dreg:s7], $0x2FFFF;
	_ =	strace $0x9FFFFFFF  }
0xc2: {  	(tm) =	ssettm $0x7FFFFFFF  }
0xc3: {  	_ =	shalt  }
tec
execute0_lowered:
.L_overlay_start_1:
0x0: {  	(tag) =	ssettag $0x1  }
0x1: {  	s5 =	rddreg [dreg:$0x0];
	s1 =	srdreg.scid  }
0x2: {  	s0 =	stileid.u32;
	s2 =	rddreg [dreg:$0x1];
	s3 =	simm.s32 $0x0  }
0x3: {  	s10 =	simm.s32 $0x200;
	s11 =	simm.s32 $0x6400;
	s12 =	simm.s32 $0xE400  }
0x4: {  	s13 =	simm.s32 $0x1;
	s14 =	simm.s32 $0x2;
	s15 =	simm.s32 $0x0  }
0x5: {  	s4 =	sand.u32 $0x1, s1;
	s6 =	sshll.u32 s0, $0x1;
	s1 =	rddreg [dreg:$0x2]  }
.Ltmp0:
0x6: {  	s6 =	sor.u32 s4, s6;
	s8 =	ssub.s32 $0x2, s4;
	(pc) =	sbr.rel .LBB2_1-.Ltmp0, $4  }
0x7: {  	[smem:$0x7FF] =	sst s3;
	s7 =	smul.u32 $0xC80, s6;
	s9 =	sshrl.u32 s8, $0x1  }
0x8: {  	_ =	strace $0x80000047;
	s4 =	smul.u32 $0x190000, s6;
	s8 =	ssub.s32 s8, s9  }
0x9: {  	s9 =	simm.s32 $0x3;
	s7 =	sadd.s32 s7, s5;
	s5 =	sadd.s32 $0xF42E00, s5  }
0xa: {  	s8 =	smax.u32 s8, $0x1;
	s6 =	sadd.s32 $0xA00, s7;
	s7 =	sor.u32 $0x8000, s4  }
.LBB2_8:
0xb: {  	s15 =	sadd.s32 $0x1, s15  }
0xc: {  	p0 =	sne.s32 s15, s8  }
.Ltmp1:
0xd: {  	_ = 	snop;
	(pc) =	sbr.rel @!p0 .LBB2_9-.Ltmp1, $1  }
0xe: {  	_ =	sdelay $0x3  }
.LBB2_1:
0xf: {  	[tilespmem:s3], [sflag:$0x3] =	stream.linear.gather [hbm4b:s6+s3], $0x6400, $0x38;
	[tilespmem:$0x16400] =	vst v63  }
0x10: {  	_ =	swait.ge [sflag:s9], $0x6400  }
0x11: {  	[sflag:s9] =	ssyncset.done $0x0  }
0x12: {  	[sflag:s9] =	ssyncadd.s32 $0xFFFF9C00  }
0x13: {  	[tilespmem:s11], [sflag:$0x1] =	stream.indirect.gather [hbm4b:s5+s10], $0x40, s3, s10, $0xb8;
	[tilespmem:$0x16400] =	vst v63  }
0x14: {  	s16 =	simm.s32 $0x0  }
0x15: {  	[tilespmem:s12], [sflag:$0x2] =	stream.indirect.gather [hbm4b:s5+s10], $0x40, s10, s10, $0xb8;
	[tilespmem:$0x16400] =	vst v63  }
.LBB2_2:
0x16: {  	_ =	swait.ge [sflag:s13], $0x8000  }
0x17: {  	[sflag:s13] =	ssyncset.done $0x0  }
0x18: {  	s18 =	simm.s32 $0x0;
	[sflag:s13] =	ssyncadd.s32 $0xFFFF8000  }
0x19: {  	v0 =	vld [tilespmem:s18+$0x6400]  }
0x1a: {  	v1 =	vld [tilespmem:s18+$0x6410]  }
0x1b: {  	v2 =	vld [tilespmem:s18+$0x6420]  }
0x1c: {  	v3 =	vld [tilespmem:s18+$0x6430]  }
0x1d: {  	v4 =	vld [tilespmem:s18+$0x6440]  }
0x1e: {  	v5 =	vld [tilespmem:s18+$0x6450];
	v0 =	vmul.f32 $8.000000000e+00, v0  }
0x1f: {  	v6 =	vld [tilespmem:s18+$0x6460];
	v1 =	vmul.f32 $8.000000000e+00, v1  }
0x20: {  	v2 =	vmul.f32 $8.000000000e+00, v2;
	[tilespmem:s18+$0x6400] =	vst v0;
	v0 =	vld [tilespmem:s18+$0x6470]  }
0x21: {  	v3 =	vmul.f32 $8.000000000e+00, v3;
	[tilespmem:s18+$0x6410] =	vst v1;
	v1 =	vld [tilespmem:s18+$0x6480]  }
0x22: {  	v4 =	vmul.f32 $8.000000000e+00, v4;
	[tilespmem:s18+$0x6420] =	vst v2;
	v2 =	vld [tilespmem:s18+$0x6490]  }
0x23: {  	v5 =	vmul.f32 $8.000000000e+00, v5;
	[tilespmem:s18+$0x6430] =	vst v3;
	v3 =	vld [tilespmem:s18+$0x64A0]  }
0x24: {  	v6 =	vmul.f32 $8.000000000e+00, v6;
	[tilespmem:s18+$0x6440] =	vst v4;
	v4 =	vld [tilespmem:s18+$0x64B0]  }
0x25: {  	[tilespmem:s18+$0x6450] =	vst v5;
	v5 =	vld [tilespmem:s18+$0x64C0];
	v0 =	vmul.f32 $8.000000000e+00, v0  }
0x26: {  	[tilespmem:s18+$0x6460] =	vst v6;
	v6 =	vld [tilespmem:s18+$0x64D0];
	v1 =	vmul.f32 $8.000000000e+00, v1  }
0x27: {  	v2 =	vmul.f32 $8.000000000e+00, v2;
	[tilespmem:s18+$0x6470] =	vst v0;
	v0 =	vld [tilespmem:s18+$0x64E0]  }
0x28: {  	v3 =	vmul.f32 $8.000000000e+00, v3;
	[tilespmem:s18+$0x6480] =	vst v1;
	v1 =	vld [tilespmem:s18+$0x64F0]  }
0x29: {  	v4 =	vmul.f32 $8.000000000e+00, v4;
	[tilespmem:s18+$0x6490] =	vst v2;
	v2 =	vld [tilespmem:s18+$0x6500]  }
0x2a: {  	v5 =	vmul.f32 $8.000000000e+00, v5;
	[tilespmem:s18+$0x64A0] =	vst v3;
	v3 =	vld [tilespmem:s18+$0x6510]  }
0x2b: {  	v6 =	vmul.f32 $8.000000000e+00, v6;
	[tilespmem:s18+$0x64B0] =	vst v4;
	v4 =	vld [tilespmem:s18+$0x6520]  }
0x2c: {  	[tilespmem:s18+$0x64C0] =	vst v5;
	v5 =	vld [tilespmem:s18+$0x6530];
	v0 =	vmul.f32 $8.000000000e+00, v0  }
0x2d: {  	[tilespmem:s18+$0x64D0] =	vst v6;
	v6 =	vld [tilespmem:s18+$0x6540]  }
0x2e: {  	v1 =	vmul.f32 $8.000000000e+00, v1;
	[tilespmem:s18+$0x64E0] =	vst v0;
	v0 =	vld [tilespmem:s18+$0x6550]  }
0x2f: {  	v2 =	vmul.f32 $8.000000000e+00, v2  }
0x30: {  	[tilespmem:s18+$0x64F0] =	vst v1;
	v1 =	vmul.f32 $8.000000000e+00, v3;
	v3 =	vld [tilespmem:s18+$0x6570]  }
0x31: {  	v7 =	vld [tilespmem:s18+$0x6560];
	[tilespmem:s18+$0x6500] =	vst v2;
	v2 =	vmul.f32 $8.000000000e+00, v4  }
0x32: {  	v4 =	vld [tilespmem:s18+$0x6580];
	[tilespmem:s18+$0x6510] =	vst v1;
	v1 =	vmul.f32 $8.000000000e+00, v5  }
0x33: {  	[tilespmem:s18+$0x6520] =	vst v2;
	v5 =	vld [tilespmem:s18+$0x6590];
	v2 =	vmul.f32 $8.000000000e+00, v6;
	v6 =	vmul.f32 $8.000000000e+00, v0  }
0x34: {  	[tilespmem:s18+$0x6530] =	vst v1;
	v1 =	vld [tilespmem:s18+$0x65A0]  }
0x35: {  	v0 =	vld [tilespmem:s18+$0x65B0];
	[tilespmem:s18+$0x6550] =	vst v6;
	v6 =	vmul.f32 $8.000000000e+00, v3  }
0x36: {  	v7 =	vmul.f32 $8.000000000e+00, v7;
	[tilespmem:s18+$0x6540] =	vst v2;
	v2 =	vld [tilespmem:s18+$0x65C0]  }
0x37: {  	v3 =	vld [tilespmem:s18+$0x65D0];
	[tilespmem:s18+$0x6570] =	vst v6;
	v6 =	vmul.f32 $8.000000000e+00, v4  }
0x38: {  	s17 =	simm.s32 $0x800;
	[tilespmem:s18+$0x6560] =	vst v7;
	v5 =	vmul.f32 $8.000000000e+00, v5;
	v4 =	vld [tilespmem:s18+$0x65E0]  }
.LBB2_3:
0x39: {  	s19 =	sshra.s32 s17, $0x2;
	p0 =	sne.s32 s17, $0x1F800;
	[tilespmem:s18+$0x6580] =	vst v6;
	v1 =	vmul.f32 $8.000000000e+00, v1;
	v6 =	vld [tilespmem:s18+$0x65F0]  }
0x3a: {  	v7 =	vld [tilespmem:s19+$0x6400];
	[tilespmem:s18+$0x6590] =	vst v5;
	v0 =	vmul.f32 $8.000000000e+00, v0  }
0x3b: {  	v5 =	vld [tilespmem:s19+$0x6410];
	[tilespmem:s18+$0x65A0] =	vst v1;
	v1 =	vmul.f32 $8.000000000e+00, v2  }
0x3c: {  	v2 =	vld [tilespmem:s19+$0x6420];
	[tilespmem:s18+$0x65B0] =	vst v0;
	v0 =	vmul.f32 $8.000000000e+00, v3  }
0x3d: {  	v3 =	vld [tilespmem:s19+$0x6430];
	[tilespmem:s18+$0x65C0] =	vst v1;
	v1 =	vmul.f32 $8.000000000e+00, v4  }
0x3e: {  	v4 =	vld [tilespmem:s19+$0x6440];
	[tilespmem:s18+$0x65D0] =	vst v0;
	v0 =	vmul.f32 $8.000000000e+00, v6  }
0x3f: {  	v6 =	vmul.f32 $8.000000000e+00, v7;
	v7 =	vld [tilespmem:s19+$0x6450];
	[tilespmem:s18+$0x65E0] =	vst v1  }
0x40: {  	v1 =	vmul.f32 $8.000000000e+00, v5;
	v5 =	vld [tilespmem:s19+$0x6460];
	[tilespmem:s18+$0x65F0] =	vst v0;
	s18 =	smov.u32 s19  }
0x41: {  	[tilespmem:s18+$0x6400] =	vst v6;
	v0 =	vmul.f32 $8.000000000e+00, v2;
	v2 =	vld [tilespmem:s18+$0x6470]  }
0x42: {  	[tilespmem:s18+$0x6410] =	vst v1;
	v1 =	vmul.f32 $8.000000000e+00, v3;
	v3 =	vld [tilespmem:s18+$0x6480]  }
0x43: {  	[tilespmem:s18+$0x6420] =	vst v0;
	v0 =	vmul.f32 $8.000000000e+00, v4;
	v4 =	vld [tilespmem:s18+$0x6490]  }
0x44: {  	[tilespmem:s18+$0x6430] =	vst v1;
	v1 =	vmul.f32 $8.000000000e+00, v7;
	v6 =	vld [tilespmem:s18+$0x64A0]  }
0x45: {  	[tilespmem:s18+$0x6440] =	vst v0;
	v0 =	vmul.f32 $8.000000000e+00, v5;
	v5 =	vld [tilespmem:s18+$0x64B0]  }
0x46: {  	[tilespmem:s18+$0x6450] =	vst v1;
	v1 =	vmul.f32 $8.000000000e+00, v2;
	v2 =	vld [tilespmem:s18+$0x64C0]  }
0x47: {  	[tilespmem:s18+$0x6460] =	vst v0;
	v0 =	vmul.f32 $8.000000000e+00, v3;
	v3 =	vld [tilespmem:s18+$0x64D0]  }
0x48: {  	[tilespmem:s18+$0x6470] =	vst v1;
	v1 =	vmul.f32 $8.000000000e+00, v4;
	v4 =	vld [tilespmem:s18+$0x64E0]  }
0x49: {  	[tilespmem:s18+$0x6480] =	vst v0;
	v0 =	vmul.f32 $8.000000000e+00, v6;
	v6 =	vld [tilespmem:s18+$0x64F0]  }
0x4a: {  	[tilespmem:s18+$0x6490] =	vst v1;
	v1 =	vmul.f32 $8.000000000e+00, v5;
	v5 =	vld [tilespmem:s18+$0x6500]  }
0x4b: {  	[tilespmem:s18+$0x64A0] =	vst v0;
	v0 =	vmul.f32 $8.000000000e+00, v2;
	v2 =	vld [tilespmem:s18+$0x6510]  }
0x4c: {  	[tilespmem:s18+$0x64B0] =	vst v1;
	v1 =	vmul.f32 $8.000000000e+00, v3;
	v3 =	vld [tilespmem:s18+$0x6520]  }
0x4d: {  	[tilespmem:s18+$0x64C0] =	vst v0;
	v0 =	vmul.f32 $8.000000000e+00, v4;
	v4 =	vld [tilespmem:s18+$0x6530]  }
0x4e: {  	[tilespmem:s18+$0x64D0] =	vst v1;
	v1 =	vmul.f32 $8.000000000e+00, v6;
	v6 =	vld [tilespmem:s18+$0x6540]  }
0x4f: {  	[tilespmem:s18+$0x64E0] =	vst v0;
	v0 =	vmul.f32 $8.000000000e+00, v5;
	v5 =	vld [tilespmem:s18+$0x6550]  }
0x50: {  	[tilespmem:s18+$0x64F0] =	vst v1;
	v1 =	vmul.f32 $8.000000000e+00, v2;
	v2 =	vld [tilespmem:s18+$0x6560]  }
0x51: {  	[tilespmem:s18+$0x6500] =	vst v0;
	v0 =	vmul.f32 $8.000000000e+00, v3;
	v3 =	vld [tilespmem:s18+$0x6570]  }
0x52: {  	[tilespmem:s18+$0x6510] =	vst v1;
	v1 =	vmul.f32 $8.000000000e+00, v4;
	v4 =	vld [tilespmem:s18+$0x6580]  }
0x53: {  	[tilespmem:s18+$0x6520] =	vst v0;
	v0 =	vmul.f32 $8.000000000e+00, v6;
	v7 =	vld [tilespmem:s18+$0x6590]  }
.Ltmp2:
0x54: {  	[tilespmem:s18+$0x6530] =	vst v1;
	v5 =	vmul.f32 $8.000000000e+00, v5;
	v1 =	vld [tilespmem:s18+$0x65A0];
	(pc) =	sbr.rel @p0 .LBB2_3-.Ltmp2, $4  }
0x55: {  	[tilespmem:s18+$0x6540] =	vst v0;
	v6 =	vmul.f32 $8.000000000e+00, v2;
	v0 =	vld [tilespmem:s18+$0x65B0]  }
0x56: {  	[tilespmem:s18+$0x6550] =	vst v5;
	v5 =	vmul.f32 $8.000000000e+00, v3;
	v2 =	vld [tilespmem:s18+$0x65C0]  }
0x57: {  	[tilespmem:s18+$0x6560] =	vst v6;
	v6 =	vmul.f32 $8.000000000e+00, v4;
	v3 =	vld [tilespmem:s18+$0x65D0]  }
0x58: {  	s17 =	sadd.s32 $0x800, s17;
	[tilespmem:s18+$0x6570] =	vst v5;
	v5 =	vmul.f32 $8.000000000e+00, v7;
	v4 =	vld [tilespmem:s18+$0x65E0]  }
0x59: {  	[tilespmem:s18+$0x6580] =	vst v6;
	v1 =	vmul.f32 $8.000000000e+00, v1;
	v6 =	vld [tilespmem:s18+$0x65F0]  }
0x5a: {  	[tilespmem:s18+$0x6590] =	vst v5;
	v0 =	vmul.f32 $8.000000000e+00, v0  }
0x5b: {  	[tilespmem:s18+$0x65A0] =	vst v1;
	v1 =	vmul.f32 $8.000000000e+00, v2  }
0x5c: {  	[tilespmem:s18+$0x65B0] =	vst v0;
	v0 =	vmul.f32 $8.000000000e+00, v3  }
0x5d: {  	s17 =	sshll.u32 s16, $0x10;
	[tilespmem:s18+$0x65C0] =	vst v1;
	v1 =	vmul.f32 $8.000000000e+00, v4  }
0x5e: {  	s19 =	sadd.s32 s4, s17;
	[tilespmem:s18+$0x65D0] =	vst v0;
	v0 =	vmul.f32 $8.000000000e+00, v6  }
0x5f: {  	s19 =	sshrl.u32 s19, $0x3;
	[tilespmem:s18+$0x65E0] =	vst v1  }
0x60: {  	p0 =	seq.s32 s16, $0x18;
	s31 =	sadd.s32 s2, s19;
	[tilespmem:s18+$0x65F0] =	vst v0  }
0x61: {  	[hbm4b:s31+s3] =	stream.linear.scatter [tilespmem:s11], [sflag:$0x3], $0x8000, $0x38;
	[tilespmem:$0x16400] =	vst v63  }
0x62: {  	s18 =	sshll.u32 @!p0 s16, $0xA;
	_ =	swait.ge [sflag:s9], $0x8000  }
0x63: {  	s20 =	simm.s32 @!p0 $0x6400;
	s18 =	sand.u32 @!p0 $0x3FFFFC00, s18;
	[sflag:s9] =	ssyncset.done $0x0  }
0x64: {  	s19 =	simm.s32 @!p0 $0x200;
	s18 =	sadd.s32 @!p0 $0x400, s18;
	[sflag:s9] =	ssyncadd.s32 $0xFFFF8000  }
0x65: {  	[tilespmem:s20], [sflag:$0x1] =	stream.indirect.gather @!p0 [hbm4b:s5+s19], $0x40, s18, s19, $0xb8;
	[tilespmem:$0x16400] =	vst v63  }
0x66: {  	_ =	swait.ge [sflag:s14], $0x8000  }
0x67: {  	[sflag:s14] =	ssyncset.done $0x0  }
0x68: {  	s18 =	simm.s32 $0x0;
	[sflag:s14] =	ssyncadd.s32 $0xFFFF8000  }
0x69: {  	v0 =	vld [tilespmem:s18+$0xE400]  }
0x6a: {  	v1 =	vld [tilespmem:s18+$0xE410]  }
0x6b: {  	v2 =	vld [tilespmem:s18+$0xE420]  }
0x6c: {  	v3 =	vld [tilespmem:s18+$0xE430]  }
0x6d: {  	v4 =	vld [tilespmem:s18+$0xE440]  }
0x6e: {  	v5 =	vld [tilespmem:s18+$0xE450];
	v0 =	vmul.f32 $8.000000000e+00, v0  }
0x6f: {  	v6 =	vld [tilespmem:s18+$0xE460];
	v1 =	vmul.f32 $8.000000000e+00, v1  }
0x70: {  	v2 =	vmul.f32 $8.000000000e+00, v2;
	[tilespmem:s18+$0xE400] =	vst v0;
	v0 =	vld [tilespmem:s18+$0xE470]  }
0x71: {  	v3 =	vmul.f32 $8.000000000e+00, v3;
	[tilespmem:s18+$0xE410] =	vst v1;
	v1 =	vld [tilespmem:s18+$0xE480]  }
0x72: {  	v4 =	vmul.f32 $8.000000000e+00, v4;
	[tilespmem:s18+$0xE420] =	vst v2;
	v2 =	vld [tilespmem:s18+$0xE490]  }
0x73: {  	v5 =	vmul.f32 $8.000000000e+00, v5;
	[tilespmem:s18+$0xE430] =	vst v3;
	v3 =	vld [tilespmem:s18+$0xE4A0]  }
0x74: {  	v6 =	vmul.f32 $8.000000000e+00, v6;
	[tilespmem:s18+$0xE440] =	vst v4;
	v4 =	vld [tilespmem:s18+$0xE4B0]  }
0x75: {  	[tilespmem:s18+$0xE450] =	vst v5;
	v5 =	vld [tilespmem:s18+$0xE4C0];
	v0 =	vmul.f32 $8.000000000e+00, v0  }
0x76: {  	[tilespmem:s18+$0xE460] =	vst v6;
	v6 =	vld [tilespmem:s18+$0xE4D0];
	v1 =	vmul.f32 $8.000000000e+00, v1  }
0x77: {  	v2 =	vmul.f32 $8.000000000e+00, v2;
	[tilespmem:s18+$0xE470] =	vst v0;
	v0 =	vld [tilespmem:s18+$0xE4E0]  }
0x78: {  	v3 =	vmul.f32 $8.000000000e+00, v3;
	[tilespmem:s18+$0xE480] =	vst v1;
	v1 =	vld [tilespmem:s18+$0xE4F0]  }
0x79: {  	v4 =	vmul.f32 $8.000000000e+00, v4;
	[tilespmem:s18+$0xE490] =	vst v2;
	v2 =	vld [tilespmem:s18+$0xE500]  }
0x7a: {  	v5 =	vmul.f32 $8.000000000e+00, v5;
	[tilespmem:s18+$0xE4A0] =	vst v3;
	v3 =	vld [tilespmem:s18+$0xE510]  }
0x7b: {  	v6 =	vmul.f32 $8.000000000e+00, v6;
	[tilespmem:s18+$0xE4B0] =	vst v4;
	v4 =	vld [tilespmem:s18+$0xE520]  }
0x7c: {  	[tilespmem:s18+$0xE4C0] =	vst v5;
	v5 =	vld [tilespmem:s18+$0xE530];
	v0 =	vmul.f32 $8.000000000e+00, v0  }
0x7d: {  	[tilespmem:s18+$0xE4D0] =	vst v6;
	v6 =	vld [tilespmem:s18+$0xE540]  }
0x7e: {  	v1 =	vmul.f32 $8.000000000e+00, v1;
	[tilespmem:s18+$0xE4E0] =	vst v0;
	v0 =	vld [tilespmem:s18+$0xE550]  }
0x7f: {  	v2 =	vmul.f32 $8.000000000e+00, v2  }
0x80: {  	[tilespmem:s18+$0xE4F0] =	vst v1;
	v1 =	vmul.f32 $8.000000000e+00, v3;
	v3 =	vld [tilespmem:s18+$0xE570]  }
0x81: {  	v7 =	vld [tilespmem:s18+$0xE560];
	[tilespmem:s18+$0xE500] =	vst v2;
	v2 =	vmul.f32 $8.000000000e+00, v4  }
0x82: {  	v4 =	vld [tilespmem:s18+$0xE580];
	[tilespmem:s18+$0xE510] =	vst v1;
	v1 =	vmul.f32 $8.000000000e+00, v5  }
0x83: {  	[tilespmem:s18+$0xE520] =	vst v2;
	v5 =	vld [tilespmem:s18+$0xE590];
	v2 =	vmul.f32 $8.000000000e+00, v6;
	v6 =	vmul.f32 $8.000000000e+00, v0  }
0x84: {  	[tilespmem:s18+$0xE530] =	vst v1;
	v1 =	vld [tilespmem:s18+$0xE5A0]  }
0x85: {  	v0 =	vld [tilespmem:s18+$0xE5B0];
	[tilespmem:s18+$0xE550] =	vst v6;
	v6 =	vmul.f32 $8.000000000e+00, v3  }
0x86: {  	v7 =	vmul.f32 $8.000000000e+00, v7;
	[tilespmem:s18+$0xE540] =	vst v2;
	v2 =	vld [tilespmem:s18+$0xE5C0]  }
0x87: {  	v3 =	vld [tilespmem:s18+$0xE5D0];
	[tilespmem:s18+$0xE570] =	vst v6;
	v6 =	vmul.f32 $8.000000000e+00, v4  }
0x88: {  	s19 =	simm.s32 $0x800;
	[tilespmem:s18+$0xE560] =	vst v7;
	v5 =	vmul.f32 $8.000000000e+00, v5;
	v4 =	vld [tilespmem:s18+$0xE5E0]  }
.LBB2_5:
0x89: {  	s20 =	sshra.s32 s19, $0x2;
	p1 =	sne.s32 s19, $0x1F800;
	[tilespmem:s18+$0xE580] =	vst v6;
	v1 =	vmul.f32 $8.000000000e+00, v1;
	v6 =	vld [tilespmem:s18+$0xE5F0]  }
0x8a: {  	v7 =	vld [tilespmem:s20+$0xE400];
	[tilespmem:s18+$0xE590] =	vst v5;
	v0 =	vmul.f32 $8.000000000e+00, v0  }
0x8b: {  	v5 =	vld [tilespmem:s20+$0xE410];
	[tilespmem:s18+$0xE5A0] =	vst v1;
	v1 =	vmul.f32 $8.000000000e+00, v2  }
0x8c: {  	v2 =	vld [tilespmem:s20+$0xE420];
	[tilespmem:s18+$0xE5B0] =	vst v0;
	v0 =	vmul.f32 $8.000000000e+00, v3  }
0x8d: {  	v3 =	vld [tilespmem:s20+$0xE430];
	[tilespmem:s18+$0xE5C0] =	vst v1;
	v1 =	vmul.f32 $8.000000000e+00, v4  }
0x8e: {  	v4 =	vld [tilespmem:s20+$0xE440];
	[tilespmem:s18+$0xE5D0] =	vst v0;
	v0 =	vmul.f32 $8.000000000e+00, v6  }
0x8f: {  	v6 =	vmul.f32 $8.000000000e+00, v7;
	v7 =	vld [tilespmem:s20+$0xE450];
	[tilespmem:s18+$0xE5E0] =	vst v1  }
0x90: {  	v1 =	vmul.f32 $8.000000000e+00, v5;
	v5 =	vld [tilespmem:s20+$0xE460];
	[tilespmem:s18+$0xE5F0] =	vst v0;
	s18 =	smov.u32 s20  }
0x91: {  	[tilespmem:s18+$0xE400] =	vst v6;
	v0 =	vmul.f32 $8.000000000e+00, v2;
	v2 =	vld [tilespmem:s18+$0xE470]  }
0x92: {  	[tilespmem:s18+$0xE410] =	vst v1;
	v1 =	vmul.f32 $8.000000000e+00, v3;
	v3 =	vld [tilespmem:s18+$0xE480]  }
0x93: {  	[tilespmem:s18+$0xE420] =	vst v0;
	v0 =	vmul.f32 $8.000000000e+00, v4;
	v4 =	vld [tilespmem:s18+$0xE490]  }
0x94: {  	[tilespmem:s18+$0xE430] =	vst v1;
	v1 =	vmul.f32 $8.000000000e+00, v7;
	v6 =	vld [tilespmem:s18+$0xE4A0]  }
0x95: {  	[tilespmem:s18+$0xE440] =	vst v0;
	v0 =	vmul.f32 $8.000000000e+00, v5;
	v5 =	vld [tilespmem:s18+$0xE4B0]  }
0x96: {  	[tilespmem:s18+$0xE450] =	vst v1;
	v1 =	vmul.f32 $8.000000000e+00, v2;
	v2 =	vld [tilespmem:s18+$0xE4C0]  }
0x97: {  	[tilespmem:s18+$0xE460] =	vst v0;
	v0 =	vmul.f32 $8.000000000e+00, v3;
	v3 =	vld [tilespmem:s18+$0xE4D0]  }
0x98: {  	[tilespmem:s18+$0xE470] =	vst v1;
	v1 =	vmul.f32 $8.000000000e+00, v4;
	v4 =	vld [tilespmem:s18+$0xE4E0]  }
0x99: {  	[tilespmem:s18+$0xE480] =	vst v0;
	v0 =	vmul.f32 $8.000000000e+00, v6;
	v6 =	vld [tilespmem:s18+$0xE4F0]  }
0x9a: {  	[tilespmem:s18+$0xE490] =	vst v1;
	v1 =	vmul.f32 $8.000000000e+00, v5;
	v5 =	vld [tilespmem:s18+$0xE500]  }
0x9b: {  	[tilespmem:s18+$0xE4A0] =	vst v0;
	v0 =	vmul.f32 $8.000000000e+00, v2;
	v2 =	vld [tilespmem:s18+$0xE510]  }
0x9c: {  	[tilespmem:s18+$0xE4B0] =	vst v1;
	v1 =	vmul.f32 $8.000000000e+00, v3;
	v3 =	vld [tilespmem:s18+$0xE520]  }
0x9d: {  	[tilespmem:s18+$0xE4C0] =	vst v0;
	v0 =	vmul.f32 $8.000000000e+00, v4;
	v4 =	vld [tilespmem:s18+$0xE530]  }
0x9e: {  	[tilespmem:s18+$0xE4D0] =	vst v1;
	v1 =	vmul.f32 $8.000000000e+00, v6;
	v6 =	vld [tilespmem:s18+$0xE540]  }
0x9f: {  	[tilespmem:s18+$0xE4E0] =	vst v0;
	v0 =	vmul.f32 $8.000000000e+00, v5;
	v5 =	vld [tilespmem:s18+$0xE550]  }
0xa0: {  	[tilespmem:s18+$0xE4F0] =	vst v1;
	v1 =	vmul.f32 $8.000000000e+00, v2;
	v2 =	vld [tilespmem:s18+$0xE560]  }
0xa1: {  	[tilespmem:s18+$0xE500] =	vst v0;
	v0 =	vmul.f32 $8.000000000e+00, v3;
	v3 =	vld [tilespmem:s18+$0xE570]  }
0xa2: {  	[tilespmem:s18+$0xE510] =	vst v1;
	v1 =	vmul.f32 $8.000000000e+00, v4;
	v4 =	vld [tilespmem:s18+$0xE580]  }
0xa3: {  	[tilespmem:s18+$0xE520] =	vst v0;
	v0 =	vmul.f32 $8.000000000e+00, v6;
	v7 =	vld [tilespmem:s18+$0xE590]  }
.Ltmp3:
0xa4: {  	[tilespmem:s18+$0xE530] =	vst v1;
	v5 =	vmul.f32 $8.000000000e+00, v5;
	v1 =	vld [tilespmem:s18+$0xE5A0];
	(pc) =	sbr.rel @p1 .LBB2_5-.Ltmp3, $4  }
0xa5: {  	[tilespmem:s18+$0xE540] =	vst v0;
	v6 =	vmul.f32 $8.000000000e+00, v2;
	v0 =	vld [tilespmem:s18+$0xE5B0]  }
0xa6: {  	[tilespmem:s18+$0xE550] =	vst v5;
	v5 =	vmul.f32 $8.000000000e+00, v3;
	v2 =	vld [tilespmem:s18+$0xE5C0]  }
0xa7: {  	[tilespmem:s18+$0xE560] =	vst v6;
	v6 =	vmul.f32 $8.000000000e+00, v4;
	v3 =	vld [tilespmem:s18+$0xE5D0]  }
0xa8: {  	s19 =	sadd.s32 $0x800, s19;
	[tilespmem:s18+$0xE570] =	vst v5;
	v5 =	vmul.f32 $8.000000000e+00, v7;
	v4 =	vld [tilespmem:s18+$0xE5E0]  }
0xa9: {  	[tilespmem:s18+$0xE580] =	vst v6;
	v1 =	vmul.f32 $8.000000000e+00, v1;
	v59 =	vld [tilespmem:s18+$0xE5F0]  }
0xaa: {  	[tilespmem:s18+$0xE590] =	vst v5;
	v0 =	vmul.f32 $8.000000000e+00, v0  }
0xab: {  	[tilespmem:s18+$0xE5A0] =	vst v1;
	v60 =	vmul.f32 $8.000000000e+00, v2  }
0xac: {  	[tilespmem:s18+$0xE5B0] =	vst v0;
	v61 =	vmul.f32 $8.000000000e+00, v3  }
0xad: {  	[tilespmem:s18+$0xE5C0] =	vst v60;
	v62 =	vmul.f32 $8.000000000e+00, v4  }
0xae: {  	s17 =	sadd.s32 s17, s7;
	[tilespmem:s18+$0xE5D0] =	vst v61;
	v63 =	vmul.f32 $8.000000000e+00, v59  }
0xaf: {  	s17 =	sshrl.u32 s17, $0x3;
	[tilespmem:s18+$0xE5E0] =	vst v62  }
.Ltmp4:
0xb0: {  	s17 =	sadd.s32 s2, s17;
	[tilespmem:s18+$0xE5F0] =	vst v63;
	(pc) =	sbr.rel @p0 .LBB2_8-.Ltmp4, $4  }
0xb1: {  	[hbm4b:s17+s3] =	stream.linear.scatter [tilespmem:s12], [sflag:$0x3], $0x8000, $0x38;
	[tilespmem:$0x16400] =	vst v63  }
0xb2: {  	_ =	swait.ge [sflag:s9], $0x8000  }
0xb3: {  	[sflag:s9] =	ssyncset.done $0x0  }
0xb4: {  	[sflag:s9] =	ssyncadd.s32 $0xFFFF8000  }
.Ltmp5:
0xb5: {  	(pc) =	sbr.rel .LBB2_2-.Ltmp5, $4  }
0xb6: {  	s17 =	sshll.u32 s16, $0xA  }
0xb7: {  	s17 =	sand.u32 $0x3FFFFC00, s17  }
0xb8: {  	s16 =	sadd.s32 $0x1, s16;
	s17 =	sadd.s32 $0x600, s17  }
0xb9: {  	[tilespmem:s12], [sflag:$0x2] =	stream.indirect.gather [hbm4b:s5+s10], $0x40, s17, s10, $0xb8;
	[tilespmem:$0x16400] =	vst v63  }
.LBB2_9:
0xba: {  	_ =	sfence.sel $0x180000  }
0xbb: {  	[bflag:$0x0] =	sbarrier.arrive $0xFFFF  }
0xbc: {  	p0 =	sne.s32 s0, $0x0;
	_ =	strace $0x90000047  }
0xbd: {  	s0 =	sadd.s32 @!p0 $0x100000, s1;
	[bflag:$0x2] =	sbarrier.arrive $0xFFFF  }
0xbe: {  	[sflag:s0] =	ssyncadd.tile.s32 @!p0 $0x1;
	_ =	shalt  }
.Lfunc_end2:
_tile_overlayer_lowered:
.L_overlay_start_2:
0xbf: {  	(tag) =	ssettag $0x2  }
0xc0: {  	s0 =	rddreg [dreg:$0x0];
	s2 =	stileid.u32  }
0xc1: {  	s1 =	rddreg [dreg:$0x1];
	p0 =	sne.s32 s2, $0x0  }
0xc2: {  	s3 =	rddreg [dreg:$0x2];
	[bflag:$0x3] =	sbarrier.arrive $0xFFFF;
	s2 =	simm.s32 @!p0 $0x1C03  }
0xc3: {  	[timem:s3], [sflag:s2] =	dma.local @!p0 [hbm:s0], s1  }
0xc4: {  	s0 =	simm.s32 @!p0 $0x3  }
0xc5: {  	_ =	swait.ge @!p0 [sflag:s0], s1  }
0xc6: {  	s1 =	ssub.s32 @!p0 $0x0, s1;
	[sflag:s0] =	ssyncset.done @!p0 $0x0  }
0xc7: {  	[sflag:s0] =	ssyncadd.s32 @!p0 s1  }
0xc8: {  	[bflag:$0x3] =	sbarrier.arrive $0xFFFF  }
0xc9: {  	_ =	shalt  }

// kernel: sparse-core-data-format-call.cloned.1.call-start
scs
called_computation_lowered:
.L_overlay_start_0:
0x0: {  	s2 =	sld [smem:$0x3FD9]  }
0x1: {  	s3 =	sld [smem:$0x3FFE];
	_ =	sdelay $0x1  }
0x2: {  	s1 =	srdreg.scid  }
0x3: {  	s0 =	sand.u32 $0x1, s1  }
0x4: {  	s18 =	sshll.u32 s0, $0xA;
	s2 =	sadd.s32 s3, s2  }
0x5: {  	s2 =	sadd.s32 s2, s18  }
0x6: {  	[smem:$0x3FC6] =	sst s2  }
0x7: {  	_ = 	snop  }
0x8: {  	s2 =	sld [smem:$0x3FD0];
	(tm) =	ssettm $0x1  }
0x9: {  	s19 =	sld [smem:$0x3FFB];
	_ =	sdelay $0x3  }
0xa: {  	_ =	strace s19  }
0xb: {  	s3 =	sld [smem:$0x3FFC];
	_ =	sdelay $0x3  }
0xc: {  	_ =	strace s3  }
0xd: {  	s3 =	sld [smem:$0x3FFD];
	_ =	sdelay $0x3  }
0xe: {  	_ =	strace s3  }
0xf: {  	_ =	strace $0x8FFFFFFF  }
0x10: {  	s20 =	sld [smem:$0x3FDB];
	_ =	sdelay $0x1  }
0x11: {  	s4 =	simm.s32 $_scs_section_size  }
0x12: {  	s5 =	simm.s32 $_size__tile_overlayer_lowered;
	s6 =	simm.s32 $_tile_overlayer_lowered  }
0x13: {  	s23 =	simm.s32 $0x1BFF;
	s22 =	sshll.u32 s6, $0x1;
	s3 =	sadd.s32 s4, s20  }
0x14: {  	s7 =	simm.s32 $0x0;
	s21 =	sshll.u32 s5, $0x1;
	s5 =	sadd.s32 s22, s3  }
0x15: {  	[timem:s7], [sflag:s23] =	dma.local [hbm:s5], s21  }
0x16: {  	_ =	swait.ge [sflag:s23], s21  }
0x17: {  	s4 =	ssub.s32 $0x0, s21;
	[sflag:s23] =	ssyncset.done $0x0  }
0x18: {  	[sflag:s23] =	ssyncadd.s32 s4;
	_ =	sdelay $0x1  }
0x19: {  	s24 =	simm.s32 $0x1B8B  }
0x1a: {  	_ =	swait.ge [sflag:s24], $0x1  }
0x1b: {  	[sflag:s24] =	ssyncset.done $0x0  }
0x1c: {  	s26 =	simm.s32 $0x1B8E;
	s25 =	sld [smem:$0x3FFE];
	[sflag:s24] =	ssyncadd.s32 $0xFFFFFFFF  }
0x1d: {  	s27 =	simm.s32 $execute0_lowered;
	[smem:$0x3FD2] =	sst s26  }
0x1e: {  	s5 =	sshll.u32 s27, $0x1;
	_ =	strace $0x80000049;
	[dreg:$0x1] =	wrdreg $0xFFFFFFFF  }
0x1f: {  	s28 =	simm.s32 $_size_execute0_lowered;
	s3 =	sadd.s32 s3, s5;
	[dreg:$0x0] =	wrdreg $0x0  }
0x20: {  	s5 =	sshll.u32 s28, $0x1;
	[dreg:$0x2] =	wrdreg s3  }
0x21: {  	[dreg:$0x3] =	wrdreg s5  }
0x22: {  	[dreg:$0x4] =	wrdreg $0xC0  }
0x23: {  	_ =	task [dreg:s7], $0x5FFFF  }
0x24: {  	[dreg:$0x1] =	wrdreg $0xFFFFFFFF  }
0x25: {  	[dreg:$0x0] =	wrdreg $0x60  }
0x26: {  	[dreg:$0x2] =	wrdreg s25  }
0x27: {  	[dreg:$0x3] =	wrdreg s2  }
0x28: {  	[dreg:$0x4] =	wrdreg $0x9  }
0x29: {  	_ =	task.clear_ibuf [dreg:s7], $0x5FFFF;
	_ =	strace $0x90000049  }
0x2a: {  	s29 =	simm.s32 $0x9;
	_ =	strace $0x8000004B  }
0x2b: {  	_ =	swait.ge [sflag:s29], $0x1  }
0x2c: {  	[sflag:s29] =	ssyncadd.s32 $0xFFFFFFFF  }
0x2d: {  	_ =	strace $0x9000004B  }
0x2e: {  	_ =	sfence  }
0x2f: {  	s30 =	sld [smem:$0x0];
	_ =	sdelay $0x2  }
0x30: {  	s31 =	sshll.u32 s1, $0xD;
	s1 =	sshrl.u32 s1, $0x2  }
0x31: {  	s3 =	sand.u32 $0x4000, s31;
	s1 =	sadd.s32 s1, s30  }
0x32: {  	s0 =	sor.u32 s3, s0;
	s1 =	sshll.u32 s1, $0x11  }
0x33: {  	s0 =	sor.u32 s1, s0  }
0x34: {  	s0 =	sadd.s32 $0x8F2B, s0  }
0x35: {  	[sflag:s0] =	ssyncadd.remote.s32 $0x1  }
0x36: {  	_ =	sfence.sel $0xFFFF  }
0x37: {  	[dreg:$0x0] =	wrdreg $0xFFFFFFFF;
	(pc) =	sbr.abs _section_cstart, $3  }
0x38: {  	[dreg:$0x1] =	wrdreg $0xFFFFFFFF  }
0x39: {  	_ =	task.clear_ibuf [dreg:s7], $0x2FFFF;
	_ =	strace $0x9FFFFFFF  }
0x3a: {  	(tm) =	ssettm $0x7FFFFFFF  }
0x3b: {  	_ =	shalt  }
tec
execute0_lowered:
.L_overlay_start_1:
0x0: {  	(tag) =	ssettag $0x1  }
0x1: {  	s0 =	srdreg.scid  }
0x2: {  	s1 =	sshll.u32 s0, $0x4  }
0x3: {  	s0 =	stileid.u32;
	s1 =	sand.u32 $0x10, s1  }
0x4: {  	s1 =	sor.u32 s0, s1  }
0x5: {  	s6 =	rddreg [dreg:$0x0];
	s4 =	simm.s32 $0x1;
	s2 =	sshll.u32 s1, $0x7  }
0x6: {  	s7 =	simm.s32 $0x2;
	s12 =	simm.s32 $0x0;
	s1 =	ssub.s32 $0x1000, s2  }
0x7: {  	s8 =	simm.s32 $0x8000;
	s13 =	simm.s32 $0x0;
	s3 =	sand.u32 $0xF80, s1  }
0x8: {  	s9 =	simm.s32 $0x0;
	s5 =	sshrl.u32 s1, $0xC;
	p0 =	sne.s32 s3, $0x0  }
.Ltmp0:
0x9: {  	s1 =	rddreg [dreg:$0x2];
	s4 =	simm.s32 @!p0 $0x0;
	(pc) =	sbr.rel .LBB1_1-.Ltmp0, $4  }
0xa: {  	s11 =	simm.s32 $0x0;
	s3 =	rddreg [dreg:$0x1];
	s5 =	sadd.s32 s4, s5  }
0xb: {  	_ =	strace $0x8000004A;
	s4 =	simm.s32 $0x1;
	s5 =	smul.u32 $0xC8, s5  }
0xc: {  	s6 =	sadd.s32 $0xA00, s6;
	s10 =	smov.u32 s2;
	[sflag:s4] =	ssyncpa.u1 $0x0  }
0xd: {  	p0 =	por $0x0, $0x0;
	[sflag:s7] =	ssyncpa.u1 $0x0;
	s7 =	sor.u32 $0x1, s5  }
.LBB1_4:
0xe: {  	s16 =	sshll.u32 s13, $0x3;
	s17 =	sand.u32 $0x78, s13  }
0xf: {  	s30 =	sand.u32 $0x7E00, s13;
	s12 =	sshll.u32 s12, $0xF;
	s16 =	sand.u32 $0xC00, s16  }
0x10: {  	[tilespmem:s15+$0x810 ss:$0x81] =	vst.msk $0xffff, v2;
	s31 =	sand.u32 $0x7, s13;
	s16 =	sor.u32 s17, s16;
	s17 =	sadd.s32 s3, s30  }
0x11: {  	[tilespmem:s15+$0x1020 ss:$0x81] =	vst.msk $0xffff, v0;
	s13 =	sshll.u32 s31, $0x12;
	s12 =	sadd.s32 s12, s17;
	s16 =	sshrl.u32 s16, $0x3  }
0x12: {  	[tilespmem:s15+$0x0 ss:$0x81] =	vst.msk $0xffff, v1;
	s13 =	sor.u32 $0x400, s13;
	s12 =	sadd.s32 s16, s12  }
0x13: {  	[hbm4b:s12+s13] =	stream.strided.scatter [tilespmem:s14], [sflag:$0x2], $0x2000, s8, s13, $0x20;
	[tilespmem:$0x8080] =	vst v63  }
.LBB1_5:
0x14: {  	s14 =	sadd.s32 $0x1, s9  }
0x15: {  	s12 =	sadd.s32 $0x1000, s10;
	s16 =	smov.u32 s10;
	p2 =	sgt.s32 s14, $0xC7  }
0x16: {  	s16 =	smov.u32 @p2 s12  }
0x17: {  	s14 =	simm.s32 @p2 $0x0;
	p2 =	sgt.s32 s16, $0xFFF  }
0x18: {  	s16 =	smov.u32 @p2 s2;
	p2 =	sne.s32 s11, s7  }
.Ltmp1:
0x19: {  	p1 =	slt.u32 s11, $0x2;
	(pc) =	sbr.rel @!p2 .LBB1_6-.Ltmp1, $4  }
0x1a: {  	s15 =	simm.s32 @!p1 $0x2  }
0x1b: {  	s13 =	smov.u32 s10;
	p0 =	por !p0, !p0;
	_ =	swait.ge @!p1 [sflag:s15], $0x2000  }
0x1c: {  	s12 =	smov.u32 s9;
	[sflag:s15] =	ssyncset.done @!p1 $0x0;
	s9 =	smov.u32 s14  }
0x1d: {  	s11 =	sadd.s32 $0x1, s11;
	[sflag:s15] =	ssyncadd.s32 @!p1 $0xFFFFE000;
	s10 =	smov.u32 s16  }
.LBB1_1:
0x1e: {  	p1 =	sge.u32 s11, s5  }
0x1f: {  	s14 =	sand.u32 @!p1 $0x1FFFFFF, s9  }
0x20: {  	s15 =	smulhi.u32 @!p1 $0x147AE15, s14;
	_ =	sdelay $0x1  }
0x21: {  	s15 =	smul.u32 @!p1 $0xC8, s15  }
0x22: {  	s16 =	sxor.u32 @!p1 $0xFFFFFFFF, s11;
	s17 =	smul.u32 @!p1 $0xC80, s10  }
0x23: {  	s31 =	sadd.s32 $0xFFFFFFFF, s11;
	s16 =	sshll.u32 @!p1 s16, $0xD;
	s14 =	ssub.s32 @!p1 s14, s15  }
0x24: {  	s15 =	sand.u32 @!p1 $0x2000, s16;
	s16 =	sadd.s32 @!p1 s6, s17;
	s14 =	sshll.u32 @!p1 s14, $0x4  }
0x25: {  	s17 =	simm.s32 @!p1 $0x6400;
	s14 =	sadd.s32 @!p1 s14, s16;
	s16 =	simm.s32 @!p1 $0x40  }
0x26: {  	[tilespmem:s15], [sflag:$0x1] =	stream.strided.gather @!p1 [hbm4b:s14+s16], $0x2000, s17, s16, $0x38;
	[tilespmem:$0x8080] =	vst v63  }
0x27: {  	p1 =	sge.u32 s31, s5  }
.Ltmp2:
0x28: {  	_ = 	snop;
	(pc) =	sbr.rel @p1 .LBB1_5-.Ltmp2, $1  }
0x29: {  	_ =	sdelay $0x3  }
0x2a: {  	s14 =	simm.s32 $0x1  }
0x2b: {  	_ =	swait.ge [sflag:s4], $0x2000;
	s14 =	simm.s32 @!p0 $0x0  }
0x2c: {  	[sflag:s4] =	ssyncset.done $0x0;
	s15 =	sshll.u32 s14, $0xD  }
0x2d: {  	[sflag:s4] =	ssyncadd.s32 $0xFFFFE000;
	s18 =	sor.u32 $0x20, s15  }
0x2e: {  	s14 =	smul.u32 $0x8100, s14;
	v3 =	vld [tilespmem:s18+$0x10]  }
0x2f: {  	s30 =	sand.u32 $0x1, s11;
	v2 =	vld [tilespmem:s18+$0xFFFFFFF0]  }
0x30: {  	s15 =	smul.u32 $0x8100, s30;
	s14 =	sshrl.u32 s14, $0x2;
	v0 =	vld [tilespmem:s18+$0x0]  }
0x31: {  	v1 =	vld [tilespmem:s18+$0xFFFFFFE0];
	s16 =	sor.u32 $0x4000, s14  }
0x32: {  	s31 =	sshrl.u32 s15, $0x2;
	s15 =	sadd.s32 $0x0, s16  }
0x33: {  	s17 =	simm.s32 $0x4;
	s18 =	sadd.s32 $0x40, s18;
	s14 =	sor.u32 $0x4000, s31;
	[tilespmem:s15+$0x1830 ss:$0x81] =	vst.msk $0xffff, v3  }
.LBB1_3:
0x34: {  	v3 =	vld [tilespmem:s18+$0x10];
	p1 =	sne.s32 s17, $0x1FC;
	[tilespmem:s15+$0x810 ss:$0x81] =	vst.msk $0xffff, v2;
	s19 =	smov.u32 s17;
	s17 =	sadd.s32 $0x4, s17  }
.Ltmp3:
0x35: {  	v2 =	vld [tilespmem:s18+$0xFFFFFFF0];
	[tilespmem:s15+$0x1020 ss:$0x81] =	vst.msk $0xffff, v0;
	(pc) =	sbr.rel @p1 .LBB1_3-.Ltmp3, $4  }
0x36: {  	v0 =	vld [tilespmem:s18+$0x0];
	[tilespmem:s15+$0x0 ss:$0x81] =	vst.msk $0xffff, v1  }
0x37: {  	s15 =	sshra.s32 s19, $0x2;
	v1 =	vld [tilespmem:s18+$0xFFFFFFE0]  }
0x38: {  	s15 =	sadd.s32 s15, s16  }
0x39: {  	s18 =	sadd.s32 $0x40, s18;
	[tilespmem:s15+$0x1830 ss:$0x81] =	vst.msk $0xffff, v3  }
.Ltmp4:
0x3a: {  	_ = 	snop;
	(pc) =	sbr.rel .LBB1_4-.Ltmp4, $1  }
0x3b: {  	_ =	sdelay $0x3  }
.LBB1_6:
0x3c: {  	_ =	sfence.sel $0x180000  }
0x3d: {  	s2 =	simm.s32 $0x1;
	[bflag:$0x0] =	sbarrier.arrive $0xFFFF  }
0x3e: {  	s31 =	simm.s32 $0x2;
	[sflag:s2] =	ssyncpa.u1 $0x1  }
0x3f: {  	[sflag:s31] =	ssyncpa.u1 $0x1  }
0x40: {  	p0 =	sne.s32 s0, $0x0;
	_ =	strace $0x9000004A  }
0x41: {  	s0 =	sadd.s32 @!p0 $0x100000, s1;
	[bflag:$0x2] =	sbarrier.arrive $0xFFFF  }
0x42: {  	[sflag:s0] =	ssyncadd.tile.s32 @!p0 $0x1;
	_ =	shalt  }
.Lfunc_end1:
_tile_overlayer_lowered:
.L_overlay_start_2:
0x43: {  	(tag) =	ssettag $0x2  }
0x44: {  	s0 =	rddreg [dreg:$0x0];
	s2 =	stileid.u32  }
0x45: {  	s1 =	rddreg [dreg:$0x1];
	p0 =	sne.s32 s2, $0x0  }
0x46: {  	s3 =	rddreg [dreg:$0x2];
	[bflag:$0x3] =	sbarrier.arrive $0xFFFF;
	s2 =	simm.s32 @!p0 $0x1C01  }
0x47: {  	[timem:s3], [sflag:s2] =	dma.local @!p0 [hbm:s0], s1  }
0x48: {  	s0 =	simm.s32 @!p0 $0x1  }
0x49: {  	_ =	swait.ge @!p0 [sflag:s0], s1  }
0x4a: {  	s1 =	ssub.s32 @!p0 $0x0, s1;
	[sflag:s0] =	ssyncset.done @!p0 $0x0  }
0x4b: {  	[sflag:s0] =	ssyncadd.s32 @!p0 s1  }
0x4c: {  	[bflag:$0x3] =	sbarrier.arrive $0xFFFF  }
0x4d: {  	_ =	shalt  }

</sc_bundles>
